<compile_context>
chip_gen: v7x
topology: tpu7x:2x2x1
jax: 0.10.2.dev20260603
libtpu: 0.0.44.dev20260713+nightly
codegen_flags: <defaults>
</compile_context>

<pallas_src>
import functools

import jax
import jax.numpy as jnp
from jax import lax
from jax.experimental import pallas as pl
from jax.experimental.pallas import tpu as pltpu
from jax.experimental.pallas import tpu_sc as plsc

D = 1024
NC = 2
NS = 16
NW = NC * NS
R = 4
S = 8192
B = R * S
B_PER_W = B // NW
WPR = S // B_PER_W
C = 16
NCHUNK = B_PER_W // C
NBUF = 4
LEAD = NBUF // 2


def _build():
    mesh = plsc.VectorSubcoreMesh(core_axis_name="c", subcore_axis_name="s")

    @functools.partial(
        pl.kernel,
        mesh=mesh,
        out_type=jax.ShapeDtypeStruct((B, D), jnp.float32),
        scratch_types=[
            pltpu.VMEM((B_PER_W,), jnp.int32),
            pltpu.VMEM((NBUF, C, D), jnp.float32),
            pltpu.SemaphoreType.DMA((NBUF,)),
            pltpu.SemaphoreType.DMA((NBUF,)),
            pltpu.SemaphoreType.DMA,
        ],
    )
    def emb(table_hbm, idx_hbm, out_hbm, idx_v, rows_v, gsem, osem, isem):
        wid = lax.axis_index("s") * NC + lax.axis_index("c")
        base = wid * B_PER_W

        idx_src = idx_hbm.at[wid // WPR, pl.ds((wid % WPR) * B_PER_W, B_PER_W)]
        pltpu.make_async_copy(idx_src, idx_v, isem).start()
        pltpu.make_async_copy(idx_src, idx_v, isem).wait()

        def gather(c, b):
            return pltpu.make_async_copy(
                table_hbm.at[idx_v.at[pl.ds(c * C, C)]], rows_v.at[b], gsem.at[b]
            )

        def writeback(c, b):
            return pltpu.make_async_copy(
                rows_v.at[b], out_hbm.at[pl.ds(base + c * C, C)], osem.at[b]
            )

        for b in range(LEAD):
            gather(b, b).start()

        def loop_body(i, carry):
            for b in range(NBUF):
                c = i * NBUF + b
                bn = (b + LEAD) % NBUF
                gather(c, b).wait()
                writeback(c, b).start()

                @pl.when(c >= LEAD)
                def _():
                    writeback(c - LEAD, bn).wait()

                @pl.when(c + LEAD < NCHUNK)
                def _():
                    gather(c + LEAD, bn).start()

            return carry

        lax.fori_loop(0, NCHUNK // NBUF, loop_body, 0)

        for k in range(LEAD):
            cc = NCHUNK - LEAD + k
            writeback(cc, cc % NBUF).wait()

    return emb


_emb = _build()


def kernel(input_ids, table):
    out = _emb(table, input_ids.astype(jnp.int32))
    return out.reshape(input_ids.shape + (D,))

# --- scband reference (transcript-rebuilt; emitter-appended) ---
"""Pipeline reference for scband-minicpm-embed-22333829940007 (READ-ONLY COPY).

The authoritative reference and input builder live on the scoring server;
editing this copy changes nothing except your own understanding.
"""

import jax, jax.numpy as jnp
import numpy as np

NUM_EMBEDDINGS = 100000
EMBEDDING_DIM = 1024
SCALE_EMB = 12.0

def setup_inputs(seed: int = 0) -> dict:
    key = jax.random.key(seed)
    k_ids, k_w = jax.random.split(key)
    input_ids = jax.random.randint(k_ids, (4, 8192), 0, NUM_EMBEDDINGS, dtype=jnp.int64 if jax.config.jax_enable_x64 else jnp.int32)
    # Embedding table; the module scales the weight by scale_emb at init time,
    # so we materialize the already-scaled table (matches weight.data *= scale_emb).
    table = jax.random.normal(k_w, (NUM_EMBEDDINGS, EMBEDDING_DIM), dtype=jnp.float32) * 0.02 * SCALE_EMB
    return {"input_ids": input_ids, "table": table}

def reference(input_ids, table):
    # MINICPM_EMBED.forward: pure embedding lookup (weight pre-scaled at init)
    return jnp.take(table, input_ids, axis=0)

if __name__ == "__main__":
    import jax
    _d = setup_inputs()
    print(jax.jit(kernel)(*tuple(_d.values())))

</pallas_src>

<mosaic_0001>
#map = affine_map<(d0, d1) -> (0, 0)>
module attributes {stable_mosaic.version = 14 : i64} {
  func.func @emb(%arg0: i32, %arg1: i32, %arg2: memref<100000x1024xf32, #tpu.memory_space<hbm>>, %arg3: memref<4x8192xi32, #tpu.memory_space<hbm>>, %arg4: memref<32768x1024xf32, #tpu.memory_space<hbm>>, %arg5: memref<1024xi32, #tpu.memory_space<vmem>>, %arg6: memref<4x16x1024xf32, #tpu.memory_space<vmem>>, %arg7: memref<4x!tpu.dma_semaphore, #tpu.memory_space<semaphore_mem>>, %arg8: memref<4x!tpu.dma_semaphore, #tpu.memory_space<semaphore_mem>>, %arg9: memref<!tpu.dma_semaphore, #tpu.memory_space<semaphore_mem>>) attributes {dimension_semantics = [#tpu.dimension_semantics<core_parallel>, #tpu.dimension_semantics<subcore_parallel>], iteration_bounds = array<i64: 2, 16>, scalar_prefetch = 0 : i64, scratch_operands = 5 : i64, tpu.core_type = #tpu.core_type<sc_vector_subcore>, window_params = [{transform_indices = #map}, {transform_indices = #map}, {transform_indices = #map}]} {
    %mul3A = arith.constant 2 : i32
    %mul3A_0 = arith.muli %arg1, %mul3A : i32
    %add3A = arith.addi %mul3A_0, %arg0 : i32
    %mul3A_1 = arith.constant 1024 : i32
    %mul3A_2 = arith.muli %add3A, %mul3A_1 : i32
    %jit3A = arith.constant 8 : i32
    %div3A = arith.divsi %add3A, %jit3A : i32
    %sign3A = arith.constant 0 : i32
    %sign3A_3 = arith.cmpi sgt, %add3A, %sign3A : i32
    %sign3A_4 = arith.extui %sign3A_3 : i1 to i32
    %sign3A_5 = arith.constant 0 : i32
    %sign3A_6 = arith.cmpi slt, %add3A, %sign3A_5 : i32
    %sign3A_7 = arith.extui %sign3A_6 : i1 to i32
    %sign3A_8 = arith.subi %sign3A_4, %sign3A_7 : i32
    %sign3A_9 = arith.constant 0 : i32
    %sign3A_10 = arith.cmpi sgt, %jit3A, %sign3A_9 : i32
    %sign3A_11 = arith.extui %sign3A_10 : i1 to i32
    %sign3A_12 = arith.constant 0 : i32
    %sign3A_13 = arith.cmpi slt, %jit3A, %sign3A_12 : i32
    %sign3A_14 = arith.extui %sign3A_13 : i1 to i32
    %sign3A_15 = arith.subi %sign3A_11, %sign3A_14 : i32
    %ne3A = arith.cmpi ne, %sign3A_8, %sign3A_15 : i32
    %rem3A = arith.remsi %add3A, %jit3A : i32
    %ne3A_16 = arith.constant 0 : i32
    %ne3A_17 = arith.cmpi ne, %rem3A, %ne3A_16 : i32
    %and3A = arith.andi %ne3A, %ne3A_17 : i1
    %sub3A = arith.constant 1 : i32
    %sub3A_18 = arith.subi %div3A, %sub3A : i32
    %select_n3A = arith.select %and3A, %sub3A_18, %div3A : i32
    %jit3A_19 = arith.constant 8 : i32
    %eq3A = arith.constant 0 : i32
    %eq3A_20 = arith.cmpi eq, %jit3A_19, %eq3A : i32
    %jit3A_21 = arith.constant 1 : i32
    %select_n3A_22 = arith.select %eq3A_20, %jit3A_21, %jit3A_19 : i32
    %rem3A_23 = arith.remsi %add3A, %select_n3A_22 : i32
    %ne3A_24 = arith.constant 0 : i32
    %ne3A_25 = arith.cmpi ne, %rem3A_23, %ne3A_24 : i32
    %lt3A = arith.constant 0 : i32
    %lt3A_26 = arith.cmpi slt, %rem3A_23, %lt3A : i32
    %lt3A_27 = arith.constant 0 : i32
    %lt3A_28 = arith.cmpi slt, %select_n3A_22, %lt3A_27 : i32
    %ne3A_29 = arith.xori %lt3A_26, %lt3A_28 : i1
    %and3A_30 = arith.andi %ne3A_29, %ne3A_25 : i1
    %add3A_31 = arith.addi %rem3A_23, %select_n3A_22 : i32
    %select_n3A_32 = arith.select %and3A_30, %add3A_31, %rem3A_23 : i32
    %mul3A_33 = arith.constant 1024 : i32
    %mul3A_34 = arith.muli %select_n3A_32, %mul3A_33 : i32
    %dma_start3A = tpu.memref_slice %arg3[%select_n3A, %mul3A_34] : memref<4x8192xi32, #tpu.memory_space<hbm>> -> memref<1x1024xi32, #tpu.memory_space<hbm>>
    %dma_start3A_35 = tpu.memref_squeeze %dma_start3A : memref<1x1024xi32, #tpu.memory_space<hbm>> -> memref<1024xi32, #tpu.memory_space<hbm>>
    %dma_start3A_36 = tpu.memref_slice %arg3[%select_n3A, %mul3A_34] : memref<4x8192xi32, #tpu.memory_space<hbm>> -> memref<1x1024xi32, #tpu.memory_space<hbm>>
    %dma_start3A_37 = tpu.memref_squeeze %dma_start3A_36 : memref<1x1024xi32, #tpu.memory_space<hbm>> -> memref<1024xi32, #tpu.memory_space<hbm>>
    tpu.enqueue_dma source(%dma_start3A_37 : memref<1024xi32, #tpu.memory_space<hbm>>) target(%arg5 : memref<1024xi32, #tpu.memory_space<vmem>>) target_semaphore(%arg9 : memref<!tpu.dma_semaphore, #tpu.memory_space<semaphore_mem>>)
    %dma_wait3A = tpu.memref_slice %arg3[%select_n3A, %mul3A_34] : memref<4x8192xi32, #tpu.memory_space<hbm>> -> memref<1x1024xi32, #tpu.memory_space<hbm>>
    %dma_wait3A_38 = tpu.memref_squeeze %dma_wait3A : memref<1x1024xi32, #tpu.memory_space<hbm>> -> memref<1024xi32, #tpu.memory_space<hbm>>
    %dma_wait3A_39 = tpu.memref_slice %arg3[%select_n3A, %mul3A_34] : memref<4x8192xi32, #tpu.memory_space<hbm>> -> memref<1x1024xi32, #tpu.memory_space<hbm>>
    %dma_wait3A_40 = tpu.memref_squeeze %dma_wait3A_39 : memref<1x1024xi32, #tpu.memory_space<hbm>> -> memref<1024xi32, #tpu.memory_space<hbm>>
    tpu.wait_dma2 semaphore(%arg9 : memref<!tpu.dma_semaphore, #tpu.memory_space<semaphore_mem>>) src(%dma_wait3A_40 : memref<1024xi32, #tpu.memory_space<hbm>>) dst(%arg5 : memref<1024xi32, #tpu.memory_space<vmem>>)
    %dma_start3A_41 = arith.constant 0 : i32
    %dma_start3A_42 = arith.constant 0 : i32
    %dma_start3A_43 = arith.constant 0 : i32
    %dma_start3A_44 = arith.constant 0 : i32
    %dma_start3A_45 = tpu.memref_slice %arg6[%dma_start3A_41, %dma_start3A_43, %dma_start3A_44] : memref<4x16x1024xf32, #tpu.memory_space<vmem>> -> memref<1x16x1024xf32, #tpu.memory_space<vmem>>
    %dma_start3A_46 = tpu.memref_squeeze %dma_start3A_45 : memref<1x16x1024xf32, #tpu.memory_space<vmem>> -> memref<16x1024xf32, #tpu.memory_space<vmem>>
    %dma_start3A_47 = arith.constant 0 : i32
    %dma_start3A_48 = tpu.memref_slice %arg5[%dma_start3A_47] : memref<1024xi32, #tpu.memory_space<vmem>> -> memref<16xi32, #tpu.memory_space<vmem>>
    %dma_start3A_49 = arith.constant 0 : i32
    %dma_start3A_50 = arith.constant 0 : i32
    %dma_start3A_51 = tpu.memref_slice %arg2[%dma_start3A_49, %dma_start3A_50] : memref<100000x1024xf32, #tpu.memory_space<hbm>> -> memref<100000x1024xf32, #tpu.memory_space<hbm>>
    %dma_start3A_52 = tpu.memref_slice %arg7[%dma_start3A_42] : memref<4x!tpu.dma_semaphore, #tpu.memory_space<semaphore_mem>> -> memref<1x!tpu.dma_semaphore, #tpu.memory_space<semaphore_mem>>
    %dma_start3A_53 = tpu.memref_squeeze %dma_start3A_52 : memref<1x!tpu.dma_semaphore, #tpu.memory_space<semaphore_mem>> -> memref<!tpu.dma_semaphore, #tpu.memory_space<semaphore_mem>>
    tpu.enqueue_indirect_dma source(%dma_start3A_51 : memref<100000x1024xf32, #tpu.memory_space<hbm>>) target(%dma_start3A_46 : memref<16x1024xf32, #tpu.memory_space<vmem>>) offsets(%dma_start3A_48 : memref<16xi32, #tpu.memory_space<vmem>>) semaphore(%dma_start3A_53 : memref<!tpu.dma_semaphore, #tpu.memory_space<semaphore_mem>>)
    %dma_start3A_54 = arith.constant 1 : i32
    %dma_start3A_55 = arith.constant 1 : i32
    %dma_start3A_56 = arith.constant 0 : i32
    %dma_start3A_57 = arith.constant 0 : i32
    %dma_start3A_58 = tpu.memref_slice %arg6[%dma_start3A_54, %dma_start3A_56, %dma_start3A_57] : memref<4x16x1024xf32, #tpu.memory_space<vmem>> -> memref<1x16x1024xf32, #tpu.memory_space<vmem>>
    %dma_start3A_59 = tpu.memref_squeeze %dma_start3A_58 : memref<1x16x1024xf32, #tpu.memory_space<vmem>> -> memref<16x1024xf32, #tpu.memory_space<vmem>>
    %dma_start3A_60 = arith.constant 16 : i32
    %dma_start3A_61 = tpu.memref_slice %arg5[%dma_start3A_60] : memref<1024xi32, #tpu.memory_space<vmem>> -> memref<16xi32, #tpu.memory_space<vmem>>
    %dma_start3A_62 = arith.constant 0 : i32
    %dma_start3A_63 = arith.constant 0 : i32
    %dma_start3A_64 = tpu.memref_slice %arg2[%dma_start3A_62, %dma_start3A_63] : memref<100000x1024xf32, #tpu.memory_space<hbm>> -> memref<100000x1024xf32, #tpu.memory_space<hbm>>
    %dma_start3A_65 = tpu.memref_slice %arg7[%dma_start3A_55] : memref<4x!tpu.dma_semaphore, #tpu.memory_space<semaphore_mem>> -> memref<1x!tpu.dma_semaphore, #tpu.memory_space<semaphore_mem>>
    %dma_start3A_66 = tpu.memref_squeeze %dma_start3A_65 : memref<1x!tpu.dma_semaphore, #tpu.memory_space<semaphore_mem>> -> memref<!tpu.dma_semaphore, #tpu.memory_space<semaphore_mem>>
    tpu.enqueue_indirect_dma source(%dma_start3A_64 : memref<100000x1024xf32, #tpu.memory_space<hbm>>) target(%dma_start3A_59 : memref<16x1024xf32, #tpu.memory_space<vmem>>) offsets(%dma_start3A_61 : memref<16xi32, #tpu.memory_space<vmem>>) semaphore(%dma_start3A_66 : memref<!tpu.dma_semaphore, #tpu.memory_space<semaphore_mem>>)
    %scan3A = arith.constant 0 : i32
    %scan3A_67 = arith.constant 0 : i32
    %scan3A_68 = arith.constant 16 : i32
    %scan3A_69 = arith.addi %scan3A_67, %scan3A_68 : i32
    %scan3A_70 = arith.constant 1 : i32
    scf.for %scan3A_108 = %scan3A_67 to %scan3A_69 step %scan3A_70  : i32 {
      %mul3A_109 = arith.constant 4 : i32
      %mul3A_110 = arith.muli %scan3A_108, %mul3A_109 : i32
      %add3A_111 = arith.constant 0 : i32
      %add3A_112 = arith.addi %mul3A_110, %add3A_111 : i32
      %mul3A_113 = arith.constant 16 : i32
      %mul3A_114 = arith.muli %add3A_112, %mul3A_113 : i32
      %dma_wait3A_115 = arith.constant 0 : i32
      %dma_wait3A_116 = arith.constant 0 : i32
      %dma_wait3A_117 = arith.constant 0 : i32
      %dma_wait3A_118 = arith.constant 0 : i32
      %dma_wait3A_119 = tpu.memref_slice %arg6[%dma_wait3A_115, %dma_wait3A_117, %dma_wait3A_118] : memref<4x16x1024xf32, #tpu.memory_space<vmem>> -> memref<1x16x1024xf32, #tpu.memory_space<vmem>>
      %dma_wait3A_120 = tpu.memref_squeeze %dma_wait3A_119 : memref<1x16x1024xf32, #tpu.memory_space<vmem>> -> memref<16x1024xf32, #tpu.memory_space<vmem>>
      %dma_wait3A_121 = tpu.memref_slice %arg5[%mul3A_114] : memref<1024xi32, #tpu.memory_space<vmem>> -> memref<16xi32, #tpu.memory_space<vmem>>
      %dma_wait3A_122 = arith.constant 0 : i32
      %dma_wait3A_123 = arith.constant 0 : i32
      %dma_wait3A_124 = tpu.memref_slice %arg2[%dma_wait3A_122, %dma_wait3A_123] : memref<100000x1024xf32, #tpu.memory_space<hbm>> -> memref<100000x1024xf32, #tpu.memory_space<hbm>>
      %dma_wait3A_125 = tpu.memref_slice %arg7[%dma_wait3A_116] : memref<4x!tpu.dma_semaphore, #tpu.memory_space<semaphore_mem>> -> memref<1x!tpu.dma_semaphore, #tpu.memory_space<semaphore_mem>>
      %dma_wait3A_126 = tpu.memref_squeeze %dma_wait3A_125 : memref<1x!tpu.dma_semaphore, #tpu.memory_space<semaphore_mem>> -> memref<!tpu.dma_semaphore, #tpu.memory_space<semaphore_mem>>
      tpu.wait_indirect_dma semaphore(%dma_wait3A_126 : memref<!tpu.dma_semaphore, #tpu.memory_space<semaphore_mem>>) src(%dma_wait3A_124 : memref<100000x1024xf32, #tpu.memory_space<hbm>>) dst(%dma_wait3A_120 : memref<16x1024xf32, #tpu.memory_space<vmem>>)
      %mul3A_127 = arith.constant 16 : i32
      %mul3A_128 = arith.muli %add3A_112, %mul3A_127 : i32
      %add3A_129 = arith.addi %mul3A_2, %mul3A_128 : i32
      %dma_start3A_130 = arith.constant 0 : i32
      %dma_start3A_131 = arith.constant 0 : i32
      %dma_start3A_132 = arith.constant 0 : i32
      %dma_start3A_133 = arith.constant 0 : i32
      %dma_start3A_134 = tpu.memref_slice %arg6[%dma_start3A_130, %dma_start3A_132, %dma_start3A_133] : memref<4x16x1024xf32, #tpu.memory_space<vmem>> -> memref<1x16x1024xf32, #tpu.memory_space<vmem>>
      %dma_start3A_135 = tpu.memref_squeeze %dma_start3A_134 : memref<1x16x1024xf32, #tpu.memory_space<vmem>> -> memref<16x1024xf32, #tpu.memory_space<vmem>>
      %dma_start3A_136 = arith.constant 0 : i32
      %dma_start3A_137 = tpu.memref_slice %arg4[%add3A_129, %dma_start3A_136] : memref<32768x1024xf32, #tpu.memory_space<hbm>> -> memref<16x1024xf32, #tpu.memory_space<hbm>>
      %dma_start3A_138 = tpu.memref_slice %arg8[%dma_start3A_131] : memref<4x!tpu.dma_semaphore, #tpu.memory_space<semaphore_mem>> -> memref<1x!tpu.dma_semaphore, #tpu.memory_space<semaphore_mem>>
      %dma_start3A_139 = tpu.memref_squeeze %dma_start3A_138 : memref<1x!tpu.dma_semaphore, #tpu.memory_space<semaphore_mem>> -> memref<!tpu.dma_semaphore, #tpu.memory_space<semaphore_mem>>
      %dma_start3A_140 = arith.constant 0 : i32
      %dma_start3A_141 = tpu.memref_slice %arg4[%add3A_129, %dma_start3A_140] : memref<32768x1024xf32, #tpu.memory_space<hbm>> -> memref<16x1024xf32, #tpu.memory_space<hbm>>
      %dma_start3A_142 = arith.constant 0 : i32
      %dma_start3A_143 = arith.constant 0 : i32
      %dma_start3A_144 = tpu.memref_slice %arg6[%dma_start3A_130, %dma_start3A_142, %dma_start3A_143] : memref<4x16x1024xf32, #tpu.memory_space<vmem>> -> memref<1x16x1024xf32, #tpu.memory_space<vmem>>
      %dma_start3A_145 = tpu.memref_squeeze %dma_start3A_144 : memref<1x16x1024xf32, #tpu.memory_space<vmem>> -> memref<16x1024xf32, #tpu.memory_space<vmem>>
      tpu.enqueue_dma source(%dma_start3A_145 : memref<16x1024xf32, #tpu.memory_space<vmem>>) target(%dma_start3A_141 : memref<16x1024xf32, #tpu.memory_space<hbm>>) target_semaphore(%dma_start3A_139 : memref<!tpu.dma_semaphore, #tpu.memory_space<semaphore_mem>>)
      %ge3A = arith.constant 2 : i32
      %ge3A_146 = arith.cmpi sge, %add3A_112, %ge3A : i32
      %convert_element_type3A = arith.extui %ge3A_146 : i1 to i32
      %cond3A = arith.constant 0 : i32
      %cond3A_147 = arith.cmpi ne, %convert_element_type3A, %cond3A : i32
      scf.if %cond3A_147 {
        %sub3A_302 = arith.constant 2 : i32
        %sub3A_303 = arith.subi %add3A_112, %sub3A_302 : i32
        %mul3A_304 = arith.constant 16 : i32
        %mul3A_305 = arith.muli %sub3A_303, %mul3A_304 : i32
        %add3A_306 = arith.addi %mul3A_2, %mul3A_305 : i32
        %dma_wait3A_307 = arith.constant 2 : i32
        %dma_wait3A_308 = arith.constant 2 : i32
        %dma_wait3A_309 = arith.constant 0 : i32
        %dma_wait3A_310 = arith.constant 0 : i32
        %dma_wait3A_311 = tpu.memref_slice %arg6[%dma_wait3A_307, %dma_wait3A_309, %dma_wait3A_310] : memref<4x16x1024xf32, #tpu.memory_space<vmem>> -> memref<1x16x1024xf32, #tpu.memory_space<vmem>>
        %dma_wait3A_312 = tpu.memref_squeeze %dma_wait3A_311 : memref<1x16x1024xf32, #tpu.memory_space<vmem>> -> memref<16x1024xf32, #tpu.memory_space<vmem>>
        %dma_wait3A_313 = arith.constant 0 : i32
        %dma_wait3A_314 = tpu.memref_slice %arg4[%add3A_306, %dma_wait3A_313] : memref<32768x1024xf32, #tpu.memory_space<hbm>> -> memref<16x1024xf32, #tpu.memory_space<hbm>>
        %dma_wait3A_315 = tpu.memref_slice %arg8[%dma_wait3A_308] : memref<4x!tpu.dma_semaphore, #tpu.memory_space<semaphore_mem>> -> memref<1x!tpu.dma_semaphore, #tpu.memory_space<semaphore_mem>>
        %dma_wait3A_316 = tpu.memref_squeeze %dma_wait3A_315 : memref<1x!tpu.dma_semaphore, #tpu.memory_space<semaphore_mem>> -> memref<!tpu.dma_semaphore, #tpu.memory_space<semaphore_mem>>
        %dma_wait3A_317 = arith.constant 0 : i32
        %dma_wait3A_318 = tpu.memref_slice %arg4[%add3A_306, %dma_wait3A_317] : memref<32768x1024xf32, #tpu.memory_space<hbm>> -> memref<16x1024xf32, #tpu.memory_space<hbm>>
        %dma_wait3A_319 = arith.constant 0 : i32
        %dma_wait3A_320 = arith.constant 0 : i32
        %dma_wait3A_321 = tpu.memref_slice %arg6[%dma_wait3A_307, %dma_wait3A_319, %dma_wait3A_320] : memref<4x16x1024xf32, #tpu.memory_space<vmem>> -> memref<1x16x1024xf32, #tpu.memory_space<vmem>>
        %dma_wait3A_322 = tpu.memref_squeeze %dma_wait3A_321 : memref<1x16x1024xf32, #tpu.memory_space<vmem>> -> memref<16x1024xf32, #tpu.memory_space<vmem>>
        tpu.wait_dma2 semaphore(%dma_wait3A_316 : memref<!tpu.dma_semaphore, #tpu.memory_space<semaphore_mem>>) src(%dma_wait3A_322 : memref<16x1024xf32, #tpu.memory_space<vmem>>) dst(%dma_wait3A_318 : memref<16x1024xf32, #tpu.memory_space<hbm>>)
      } else {
      }
      %add3A_148 = arith.constant 2 : i32
      %add3A_149 = arith.addi %add3A_112, %add3A_148 : i32
      %lt3A_150 = arith.constant 64 : i32
      %lt3A_151 = arith.cmpi slt, %add3A_149, %lt3A_150 : i32
      %convert_element_type3A_152 = arith.extui %lt3A_151 : i1 to i32
      %cond3A_153 = arith.constant 0 : i32
      %cond3A_154 = arith.cmpi ne, %convert_element_type3A_152, %cond3A_153 : i32
      scf.if %cond3A_154 {
        %add3A_302 = arith.constant 2 : i32
        %add3A_303 = arith.addi %add3A_112, %add3A_302 : i32
        %mul3A_304 = arith.constant 16 : i32
        %mul3A_305 = arith.muli %add3A_303, %mul3A_304 : i32
        %dma_start3A_306 = arith.constant 2 : i32
        %dma_start3A_307 = arith.constant 2 : i32
        %dma_start3A_308 = arith.constant 0 : i32
        %dma_start3A_309 = arith.constant 0 : i32
        %dma_start3A_310 = tpu.memref_slice %arg6[%dma_start3A_306, %dma_start3A_308, %dma_start3A_309] : memref<4x16x1024xf32, #tpu.memory_space<vmem>> -> memref<1x16x1024xf32, #tpu.memory_space<vmem>>
        %dma_start3A_311 = tpu.memref_squeeze %dma_start3A_310 : memref<1x16x1024xf32, #tpu.memory_space<vmem>> -> memref<16x1024xf32, #tpu.memory_space<vmem>>
        %dma_start3A_312 = tpu.memref_slice %arg5[%mul3A_305] : memref<1024xi32, #tpu.memory_space<vmem>> -> memref<16xi32, #tpu.memory_space<vmem>>
        %dma_start3A_313 = arith.constant 0 : i32
        %dma_start3A_314 = arith.constant 0 : i32
        %dma_start3A_315 = tpu.memref_slice %arg2[%dma_start3A_313, %dma_start3A_314] : memref<100000x1024xf32, #tpu.memory_space<hbm>> -> memref<100000x1024xf32, #tpu.memory_space<hbm>>
        %dma_start3A_316 = tpu.memref_slice %arg7[%dma_start3A_307] : memref<4x!tpu.dma_semaphore, #tpu.memory_space<semaphore_mem>> -> memref<1x!tpu.dma_semaphore, #tpu.memory_space<semaphore_mem>>
        %dma_start3A_317 = tpu.memref_squeeze %dma_start3A_316 : memref<1x!tpu.dma_semaphore, #tpu.memory_space<semaphore_mem>> -> memref<!tpu.dma_semaphore, #tpu.memory_space<semaphore_mem>>
        tpu.enqueue_indirect_dma source(%dma_start3A_315 : memref<100000x1024xf32, #tpu.memory_space<hbm>>) target(%dma_start3A_311 : memref<16x1024xf32, #tpu.memory_space<vmem>>) offsets(%dma_start3A_312 : memref<16xi32, #tpu.memory_space<vmem>>) semaphore(%dma_start3A_317 : memref<!tpu.dma_semaphore, #tpu.memory_space<semaphore_mem>>)
      } else {
      }
      %mul3A_155 = arith.constant 4 : i32
      %mul3A_156 = arith.muli %scan3A_108, %mul3A_155 : i32
      %add3A_157 = arith.constant 1 : i32
      %add3A_158 = arith.addi %mul3A_156, %add3A_157 : i32
      %mul3A_159 = arith.constant 16 : i32
      %mul3A_160 = arith.muli %add3A_158, %mul3A_159 : i32
      %dma_wait3A_161 = arith.constant 1 : i32
      %dma_wait3A_162 = arith.constant 1 : i32
      %dma_wait3A_163 = arith.constant 0 : i32
      %dma_wait3A_164 = arith.constant 0 : i32
      %dma_wait3A_165 = tpu.memref_slice %arg6[%dma_wait3A_161, %dma_wait3A_163, %dma_wait3A_164] : memref<4x16x1024xf32, #tpu.memory_space<vmem>> -> memref<1x16x1024xf32, #tpu.memory_space<vmem>>
      %dma_wait3A_166 = tpu.memref_squeeze %dma_wait3A_165 : memref<1x16x1024xf32, #tpu.memory_space<vmem>> -> memref<16x1024xf32, #tpu.memory_space<vmem>>
      %dma_wait3A_167 = tpu.memref_slice %arg5[%mul3A_160] : memref<1024xi32, #tpu.memory_space<vmem>> -> memref<16xi32, #tpu.memory_space<vmem>>
      %dma_wait3A_168 = arith.constant 0 : i32
      %dma_wait3A_169 = arith.constant 0 : i32
      %dma_wait3A_170 = tpu.memref_slice %arg2[%dma_wait3A_168, %dma_wait3A_169] : memref<100000x1024xf32, #tpu.memory_space<hbm>> -> memref<100000x1024xf32, #tpu.memory_space<hbm>>
      %dma_wait3A_171 = tpu.memref_slice %arg7[%dma_wait3A_162] : memref<4x!tpu.dma_semaphore, #tpu.memory_space<semaphore_mem>> -> memref<1x!tpu.dma_semaphore, #tpu.memory_space<semaphore_mem>>
      %dma_wait3A_172 = tpu.memref_squeeze %dma_wait3A_171 : memref<1x!tpu.dma_semaphore, #tpu.memory_space<semaphore_mem>> -> memref<!tpu.dma_semaphore, #tpu.memory_space<semaphore_mem>>
      tpu.wait_indirect_dma semaphore(%dma_wait3A_172 : memref<!tpu.dma_semaphore, #tpu.memory_space<semaphore_mem>>) src(%dma_wait3A_170 : memref<100000x1024xf32, #tpu.memory_space<hbm>>) dst(%dma_wait3A_166 : memref<16x1024xf32, #tpu.memory_space<vmem>>)
      %mul3A_173 = arith.constant 16 : i32
      %mul3A_174 = arith.muli %add3A_158, %mul3A_173 : i32
      %add3A_175 = arith.addi %mul3A_2, %mul3A_174 : i32
      %dma_start3A_176 = arith.constant 1 : i32
      %dma_start3A_177 = arith.constant 1 : i32
      %dma_start3A_178 = arith.constant 0 : i32
      %dma_start3A_179 = arith.constant 0 : i32
      %dma_start3A_180 = tpu.memref_slice %arg6[%dma_start3A_176, %dma_start3A_178, %dma_start3A_179] : memref<4x16x1024xf32, #tpu.memory_space<vmem>> -> memref<1x16x1024xf32, #tpu.memory_space<vmem>>
      %dma_start3A_181 = tpu.memref_squeeze %dma_start3A_180 : memref<1x16x1024xf32, #tpu.memory_space<vmem>> -> memref<16x1024xf32, #tpu.memory_space<vmem>>
      %dma_start3A_182 = arith.constant 0 : i32
      %dma_start3A_183 = tpu.memref_slice %arg4[%add3A_175, %dma_start3A_182] : memref<32768x1024xf32, #tpu.memory_space<hbm>> -> memref<16x1024xf32, #tpu.memory_space<hbm>>
      %dma_start3A_184 = tpu.memref_slice %arg8[%dma_start3A_177] : memref<4x!tpu.dma_semaphore, #tpu.memory_space<semaphore_mem>> -> memref<1x!tpu.dma_semaphore, #tpu.memory_space<semaphore_mem>>
      %dma_start3A_185 = tpu.memref_squeeze %dma_start3A_184 : memref<1x!tpu.dma_semaphore, #tpu.memory_space<semaphore_mem>> -> memref<!tpu.dma_semaphore, #tpu.memory_space<semaphore_mem>>
      %dma_start3A_186 = arith.constant 0 : i32
      %dma_start3A_187 = tpu.memref_slice %arg4[%add3A_175, %dma_start3A_186] : memref<32768x1024xf32, #tpu.memory_space<hbm>> -> memref<16x1024xf32, #tpu.memory_space<hbm>>
      %dma_start3A_188 = arith.constant 0 : i32
      %dma_start3A_189 = arith.constant 0 : i32
      %dma_start3A_190 = tpu.memref_slice %arg6[%dma_start3A_176, %dma_start3A_188, %dma_start3A_189] : memref<4x16x1024xf32, #tpu.memory_space<vmem>> -> memref<1x16x1024xf32, #tpu.memory_space<vmem>>
      %dma_start3A_191 = tpu.memref_squeeze %dma_start3A_190 : memref<1x16x1024xf32, #tpu.memory_space<vmem>> -> memref<16x1024xf32, #tpu.memory_space<vmem>>
      tpu.enqueue_dma source(%dma_start3A_191 : memref<16x1024xf32, #tpu.memory_space<vmem>>) target(%dma_start3A_187 : memref<16x1024xf32, #tpu.memory_space<hbm>>) target_semaphore(%dma_start3A_185 : memref<!tpu.dma_semaphore, #tpu.memory_space<semaphore_mem>>)
      %ge3A_192 = arith.constant 2 : i32
      %ge3A_193 = arith.cmpi sge, %add3A_158, %ge3A_192 : i32
      %convert_element_type3A_194 = arith.extui %ge3A_193 : i1 to i32
      %cond3A_195 = arith.constant 0 : i32
      %cond3A_196 = arith.cmpi ne, %convert_element_type3A_194, %cond3A_195 : i32
      scf.if %cond3A_196 {
        %sub3A_302 = arith.constant 2 : i32
        %sub3A_303 = arith.subi %add3A_158, %sub3A_302 : i32
        %mul3A_304 = arith.constant 16 : i32
        %mul3A_305 = arith.muli %sub3A_303, %mul3A_304 : i32
        %add3A_306 = arith.addi %mul3A_2, %mul3A_305 : i32
        %dma_wait3A_307 = arith.constant 3 : i32
        %dma_wait3A_308 = arith.constant 3 : i32
        %dma_wait3A_309 = arith.constant 0 : i32
        %dma_wait3A_310 = arith.constant 0 : i32
        %dma_wait3A_311 = tpu.memref_slice %arg6[%dma_wait3A_307, %dma_wait3A_309, %dma_wait3A_310] : memref<4x16x1024xf32, #tpu.memory_space<vmem>> -> memref<1x16x1024xf32, #tpu.memory_space<vmem>>
        %dma_wait3A_312 = tpu.memref_squeeze %dma_wait3A_311 : memref<1x16x1024xf32, #tpu.memory_space<vmem>> -> memref<16x1024xf32, #tpu.memory_space<vmem>>
        %dma_wait3A_313 = arith.constant 0 : i32
        %dma_wait3A_314 = tpu.memref_slice %arg4[%add3A_306, %dma_wait3A_313] : memref<32768x1024xf32, #tpu.memory_space<hbm>> -> memref<16x1024xf32, #tpu.memory_space<hbm>>
        %dma_wait3A_315 = tpu.memref_slice %arg8[%dma_wait3A_308] : memref<4x!tpu.dma_semaphore, #tpu.memory_space<semaphore_mem>> -> memref<1x!tpu.dma_semaphore, #tpu.memory_space<semaphore_mem>>
        %dma_wait3A_316 = tpu.memref_squeeze %dma_wait3A_315 : memref<1x!tpu.dma_semaphore, #tpu.memory_space<semaphore_mem>> -> memref<!tpu.dma_semaphore, #tpu.memory_space<semaphore_mem>>
        %dma_wait3A_317 = arith.constant 0 : i32
        %dma_wait3A_318 = tpu.memref_slice %arg4[%add3A_306, %dma_wait3A_317] : memref<32768x1024xf32, #tpu.memory_space<hbm>> -> memref<16x1024xf32, #tpu.memory_space<hbm>>
        %dma_wait3A_319 = arith.constant 0 : i32
        %dma_wait3A_320 = arith.constant 0 : i32
        %dma_wait3A_321 = tpu.memref_slice %arg6[%dma_wait3A_307, %dma_wait3A_319, %dma_wait3A_320] : memref<4x16x1024xf32, #tpu.memory_space<vmem>> -> memref<1x16x1024xf32, #tpu.memory_space<vmem>>
        %dma_wait3A_322 = tpu.memref_squeeze %dma_wait3A_321 : memref<1x16x1024xf32, #tpu.memory_space<vmem>> -> memref<16x1024xf32, #tpu.memory_space<vmem>>
        tpu.wait_dma2 semaphore(%dma_wait3A_316 : memref<!tpu.dma_semaphore, #tpu.memory_space<semaphore_mem>>) src(%dma_wait3A_322 : memref<16x1024xf32, #tpu.memory_space<vmem>>) dst(%dma_wait3A_318 : memref<16x1024xf32, #tpu.memory_space<hbm>>)
      } else {
      }
      %add3A_197 = arith.constant 2 : i32
      %add3A_198 = arith.addi %add3A_158, %add3A_197 : i32
      %lt3A_199 = arith.constant 64 : i32
      %lt3A_200 = arith.cmpi slt, %add3A_198, %lt3A_199 : i32
      %convert_element_type3A_201 = arith.extui %lt3A_200 : i1 to i32
      %cond3A_202 = arith.constant 0 : i32
      %cond3A_203 = arith.cmpi ne, %convert_element_type3A_201, %cond3A_202 : i32
      scf.if %cond3A_203 {
        %add3A_302 = arith.constant 2 : i32
        %add3A_303 = arith.addi %add3A_158, %add3A_302 : i32
        %mul3A_304 = arith.constant 16 : i32
        %mul3A_305 = arith.muli %add3A_303, %mul3A_304 : i32
        %dma_start3A_306 = arith.constant 3 : i32
        %dma_start3A_307 = arith.constant 3 : i32
        %dma_start3A_308 = arith.constant 0 : i32
        %dma_start3A_309 = arith.constant 0 : i32
        %dma_start3A_310 = tpu.memref_slice %arg6[%dma_start3A_306, %dma_start3A_308, %dma_start3A_309] : memref<4x16x1024xf32, #tpu.memory_space<vmem>> -> memref<1x16x1024xf32, #tpu.memory_space<vmem>>
        %dma_start3A_311 = tpu.memref_squeeze %dma_start3A_310 : memref<1x16x1024xf32, #tpu.memory_space<vmem>> -> memref<16x1024xf32, #tpu.memory_space<vmem>>
        %dma_start3A_312 = tpu.memref_slice %arg5[%mul3A_305] : memref<1024xi32, #tpu.memory_space<vmem>> -> memref<16xi32, #tpu.memory_space<vmem>>
        %dma_start3A_313 = arith.constant 0 : i32
        %dma_start3A_314 = arith.constant 0 : i32
        %dma_start3A_315 = tpu.memref_slice %arg2[%dma_start3A_313, %dma_start3A_314] : memref<100000x1024xf32, #tpu.memory_space<hbm>> -> memref<100000x1024xf32, #tpu.memory_space<hbm>>
        %dma_start3A_316 = tpu.memref_slice %arg7[%dma_start3A_307] : memref<4x!tpu.dma_semaphore, #tpu.memory_space<semaphore_mem>> -> memref<1x!tpu.dma_semaphore, #tpu.memory_space<semaphore_mem>>
        %dma_start3A_317 = tpu.memref_squeeze %dma_start3A_316 : memref<1x!tpu.dma_semaphore, #tpu.memory_space<semaphore_mem>> -> memref<!tpu.dma_semaphore, #tpu.memory_space<semaphore_mem>>
        tpu.enqueue_indirect_dma source(%dma_start3A_315 : memref<100000x1024xf32, #tpu.memory_space<hbm>>) target(%dma_start3A_311 : memref<16x1024xf32, #tpu.memory_space<vmem>>) offsets(%dma_start3A_312 : memref<16xi32, #tpu.memory_space<vmem>>) semaphore(%dma_start3A_317 : memref<!tpu.dma_semaphore, #tpu.memory_space<semaphore_mem>>)
      } else {
      }
      %mul3A_204 = arith.constant 4 : i32
      %mul3A_205 = arith.muli %scan3A_108, %mul3A_204 : i32
      %add3A_206 = arith.constant 2 : i32
      %add3A_207 = arith.addi %mul3A_205, %add3A_206 : i32
      %mul3A_208 = arith.constant 16 : i32
      %mul3A_209 = arith.muli %add3A_207, %mul3A_208 : i32
      %dma_wait3A_210 = arith.constant 2 : i32
      %dma_wait3A_211 = arith.constant 2 : i32
      %dma_wait3A_212 = arith.constant 0 : i32
      %dma_wait3A_213 = arith.constant 0 : i32
      %dma_wait3A_214 = tpu.memref_slice %arg6[%dma_wait3A_210, %dma_wait3A_212, %dma_wait3A_213] : memref<4x16x1024xf32, #tpu.memory_space<vmem>> -> memref<1x16x1024xf32, #tpu.memory_space<vmem>>
      %dma_wait3A_215 = tpu.memref_squeeze %dma_wait3A_214 : memref<1x16x1024xf32, #tpu.memory_space<vmem>> -> memref<16x1024xf32, #tpu.memory_space<vmem>>
      %dma_wait3A_216 = tpu.memref_slice %arg5[%mul3A_209] : memref<1024xi32, #tpu.memory_space<vmem>> -> memref<16xi32, #tpu.memory_space<vmem>>
      %dma_wait3A_217 = arith.constant 0 : i32
      %dma_wait3A_218 = arith.constant 0 : i32
      %dma_wait3A_219 = tpu.memref_slice %arg2[%dma_wait3A_217, %dma_wait3A_218] : memref<100000x1024xf32, #tpu.memory_space<hbm>> -> memref<100000x1024xf32, #tpu.memory_space<hbm>>
      %dma_wait3A_220 = tpu.memref_slice %arg7[%dma_wait3A_211] : memref<4x!tpu.dma_semaphore, #tpu.memory_space<semaphore_mem>> -> memref<1x!tpu.dma_semaphore, #tpu.memory_space<semaphore_mem>>
      %dma_wait3A_221 = tpu.memref_squeeze %dma_wait3A_220 : memref<1x!tpu.dma_semaphore, #tpu.memory_space<semaphore_mem>> -> memref<!tpu.dma_semaphore, #tpu.memory_space<semaphore_mem>>
      tpu.wait_indirect_dma semaphore(%dma_wait3A_221 : memref<!tpu.dma_semaphore, #tpu.memory_space<semaphore_mem>>) src(%dma_wait3A_219 : memref<100000x1024xf32, #tpu.memory_space<hbm>>) dst(%dma_wait3A_215 : memref<16x1024xf32, #tpu.memory_space<vmem>>)
      %mul3A_222 = arith.constant 16 : i32
      %mul3A_223 = arith.muli %add3A_207, %mul3A_222 : i32
      %add3A_224 = arith.addi %mul3A_2, %mul3A_223 : i32
      %dma_start3A_225 = arith.constant 2 : i32
      %dma_start3A_226 = arith.constant 2 : i32
      %dma_start3A_227 = arith.constant 0 : i32
      %dma_start3A_228 = arith.constant 0 : i32
      %dma_start3A_229 = tpu.memref_slice %arg6[%dma_start3A_225, %dma_start3A_227, %dma_start3A_228] : memref<4x16x1024xf32, #tpu.memory_space<vmem>> -> memref<1x16x1024xf32, #tpu.memory_space<vmem>>
      %dma_start3A_230 = tpu.memref_squeeze %dma_start3A_229 : memref<1x16x1024xf32, #tpu.memory_space<vmem>> -> memref<16x1024xf32, #tpu.memory_space<vmem>>
      %dma_start3A_231 = arith.constant 0 : i32
      %dma_start3A_232 = tpu.memref_slice %arg4[%add3A_224, %dma_start3A_231] : memref<32768x1024xf32, #tpu.memory_space<hbm>> -> memref<16x1024xf32, #tpu.memory_space<hbm>>
      %dma_start3A_233 = tpu.memref_slice %arg8[%dma_start3A_226] : memref<4x!tpu.dma_semaphore, #tpu.memory_space<semaphore_mem>> -> memref<1x!tpu.dma_semaphore, #tpu.memory_space<semaphore_mem>>
      %dma_start3A_234 = tpu.memref_squeeze %dma_start3A_233 : memref<1x!tpu.dma_semaphore, #tpu.memory_space<semaphore_mem>> -> memref<!tpu.dma_semaphore, #tpu.memory_space<semaphore_mem>>
      %dma_start3A_235 = arith.constant 0 : i32
      %dma_start3A_236 = tpu.memref_slice %arg4[%add3A_224, %dma_start3A_235] : memref<32768x1024xf32, #tpu.memory_space<hbm>> -> memref<16x1024xf32, #tpu.memory_space<hbm>>
      %dma_start3A_237 = arith.constant 0 : i32
      %dma_start3A_238 = arith.constant 0 : i32
      %dma_start3A_239 = tpu.memref_slice %arg6[%dma_start3A_225, %dma_start3A_237, %dma_start3A_238] : memref<4x16x1024xf32, #tpu.memory_space<vmem>> -> memref<1x16x1024xf32, #tpu.memory_space<vmem>>
      %dma_start3A_240 = tpu.memref_squeeze %dma_start3A_239 : memref<1x16x1024xf32, #tpu.memory_space<vmem>> -> memref<16x1024xf32, #tpu.memory_space<vmem>>
      tpu.enqueue_dma source(%dma_start3A_240 : memref<16x1024xf32, #tpu.memory_space<vmem>>) target(%dma_start3A_236 : memref<16x1024xf32, #tpu.memory_space<hbm>>) target_semaphore(%dma_start3A_234 : memref<!tpu.dma_semaphore, #tpu.memory_space<semaphore_mem>>)
      %ge3A_241 = arith.constant 2 : i32
      %ge3A_242 = arith.cmpi sge, %add3A_207, %ge3A_241 : i32
      %convert_element_type3A_243 = arith.extui %ge3A_242 : i1 to i32
      %cond3A_244 = arith.constant 0 : i32
      %cond3A_245 = arith.cmpi ne, %convert_element_type3A_243, %cond3A_244 : i32
      scf.if %cond3A_245 {
        %sub3A_302 = arith.constant 2 : i32
        %sub3A_303 = arith.subi %add3A_207, %sub3A_302 : i32
        %mul3A_304 = arith.constant 16 : i32
        %mul3A_305 = arith.muli %sub3A_303, %mul3A_304 : i32
        %add3A_306 = arith.addi %mul3A_2, %mul3A_305 : i32
        %dma_wait3A_307 = arith.constant 0 : i32
        %dma_wait3A_308 = arith.constant 0 : i32
        %dma_wait3A_309 = arith.constant 0 : i32
        %dma_wait3A_310 = arith.constant 0 : i32
        %dma_wait3A_311 = tpu.memref_slice %arg6[%dma_wait3A_307, %dma_wait3A_309, %dma_wait3A_310] : memref<4x16x1024xf32, #tpu.memory_space<vmem>> -> memref<1x16x1024xf32, #tpu.memory_space<vmem>>
        %dma_wait3A_312 = tpu.memref_squeeze %dma_wait3A_311 : memref<1x16x1024xf32, #tpu.memory_space<vmem>> -> memref<16x1024xf32, #tpu.memory_space<vmem>>
        %dma_wait3A_313 = arith.constant 0 : i32
        %dma_wait3A_314 = tpu.memref_slice %arg4[%add3A_306, %dma_wait3A_313] : memref<32768x1024xf32, #tpu.memory_space<hbm>> -> memref<16x1024xf32, #tpu.memory_space<hbm>>
        %dma_wait3A_315 = tpu.memref_slice %arg8[%dma_wait3A_308] : memref<4x!tpu.dma_semaphore, #tpu.memory_space<semaphore_mem>> -> memref<1x!tpu.dma_semaphore, #tpu.memory_space<semaphore_mem>>
        %dma_wait3A_316 = tpu.memref_squeeze %dma_wait3A_315 : memref<1x!tpu.dma_semaphore, #tpu.memory_space<semaphore_mem>> -> memref<!tpu.dma_semaphore, #tpu.memory_space<semaphore_mem>>
        %dma_wait3A_317 = arith.constant 0 : i32
        %dma_wait3A_318 = tpu.memref_slice %arg4[%add3A_306, %dma_wait3A_317] : memref<32768x1024xf32, #tpu.memory_space<hbm>> -> memref<16x1024xf32, #tpu.memory_space<hbm>>
        %dma_wait3A_319 = arith.constant 0 : i32
        %dma_wait3A_320 = arith.constant 0 : i32
        %dma_wait3A_321 = tpu.memref_slice %arg6[%dma_wait3A_307, %dma_wait3A_319, %dma_wait3A_320] : memref<4x16x1024xf32, #tpu.memory_space<vmem>> -> memref<1x16x1024xf32, #tpu.memory_space<vmem>>
        %dma_wait3A_322 = tpu.memref_squeeze %dma_wait3A_321 : memref<1x16x1024xf32, #tpu.memory_space<vmem>> -> memref<16x1024xf32, #tpu.memory_space<vmem>>
        tpu.wait_dma2 semaphore(%dma_wait3A_316 : memref<!tpu.dma_semaphore, #tpu.memory_space<semaphore_mem>>) src(%dma_wait3A_322 : memref<16x1024xf32, #tpu.memory_space<vmem>>) dst(%dma_wait3A_318 : memref<16x1024xf32, #tpu.memory_space<hbm>>)
      } else {
      }
      %add3A_246 = arith.constant 2 : i32
      %add3A_247 = arith.addi %add3A_207, %add3A_246 : i32
      %lt3A_248 = arith.constant 64 : i32
      %lt3A_249 = arith.cmpi slt, %add3A_247, %lt3A_248 : i32
      %convert_element_type3A_250 = arith.extui %lt3A_249 : i1 to i32
      %cond3A_251 = arith.constant 0 : i32
      %cond3A_252 = arith.cmpi ne, %convert_element_type3A_250, %cond3A_251 : i32
      scf.if %cond3A_252 {
        %add3A_302 = arith.constant 2 : i32
        %add3A_303 = arith.addi %add3A_207, %add3A_302 : i32
        %mul3A_304 = arith.constant 16 : i32
        %mul3A_305 = arith.muli %add3A_303, %mul3A_304 : i32
        %dma_start3A_306 = arith.constant 0 : i32
        %dma_start3A_307 = arith.constant 0 : i32
        %dma_start3A_308 = arith.constant 0 : i32
        %dma_start3A_309 = arith.constant 0 : i32
        %dma_start3A_310 = tpu.memref_slice %arg6[%dma_start3A_306, %dma_start3A_308, %dma_start3A_309] : memref<4x16x1024xf32, #tpu.memory_space<vmem>> -> memref<1x16x1024xf32, #tpu.memory_space<vmem>>
        %dma_start3A_311 = tpu.memref_squeeze %dma_start3A_310 : memref<1x16x1024xf32, #tpu.memory_space<vmem>> -> memref<16x1024xf32, #tpu.memory_space<vmem>>
        %dma_start3A_312 = tpu.memref_slice %arg5[%mul3A_305] : memref<1024xi32, #tpu.memory_space<vmem>> -> memref<16xi32, #tpu.memory_space<vmem>>
        %dma_start3A_313 = arith.constant 0 : i32
        %dma_start3A_314 = arith.constant 0 : i32
        %dma_start3A_315 = tpu.memref_slice %arg2[%dma_start3A_313, %dma_start3A_314] : memref<100000x1024xf32, #tpu.memory_space<hbm>> -> memref<100000x1024xf32, #tpu.memory_space<hbm>>
        %dma_start3A_316 = tpu.memref_slice %arg7[%dma_start3A_307] : memref<4x!tpu.dma_semaphore, #tpu.memory_space<semaphore_mem>> -> memref<1x!tpu.dma_semaphore, #tpu.memory_space<semaphore_mem>>
        %dma_start3A_317 = tpu.memref_squeeze %dma_start3A_316 : memref<1x!tpu.dma_semaphore, #tpu.memory_space<semaphore_mem>> -> memref<!tpu.dma_semaphore, #tpu.memory_space<semaphore_mem>>
        tpu.enqueue_indirect_dma source(%dma_start3A_315 : memref<100000x1024xf32, #tpu.memory_space<hbm>>) target(%dma_start3A_311 : memref<16x1024xf32, #tpu.memory_space<vmem>>) offsets(%dma_start3A_312 : memref<16xi32, #tpu.memory_space<vmem>>) semaphore(%dma_start3A_317 : memref<!tpu.dma_semaphore, #tpu.memory_space<semaphore_mem>>)
      } else {
      }
      %mul3A_253 = arith.constant 4 : i32
      %mul3A_254 = arith.muli %scan3A_108, %mul3A_253 : i32
      %add3A_255 = arith.constant 3 : i32
      %add3A_256 = arith.addi %mul3A_254, %add3A_255 : i32
      %mul3A_257 = arith.constant 16 : i32
      %mul3A_258 = arith.muli %add3A_256, %mul3A_257 : i32
      %dma_wait3A_259 = arith.constant 3 : i32
      %dma_wait3A_260 = arith.constant 3 : i32
      %dma_wait3A_261 = arith.constant 0 : i32
      %dma_wait3A_262 = arith.constant 0 : i32
      %dma_wait3A_263 = tpu.memref_slice %arg6[%dma_wait3A_259, %dma_wait3A_261, %dma_wait3A_262] : memref<4x16x1024xf32, #tpu.memory_space<vmem>> -> memref<1x16x1024xf32, #tpu.memory_space<vmem>>
      %dma_wait3A_264 = tpu.memref_squeeze %dma_wait3A_263 : memref<1x16x1024xf32, #tpu.memory_space<vmem>> -> memref<16x1024xf32, #tpu.memory_space<vmem>>
      %dma_wait3A_265 = tpu.memref_slice %arg5[%mul3A_258] : memref<1024xi32, #tpu.memory_space<vmem>> -> memref<16xi32, #tpu.memory_space<vmem>>
      %dma_wait3A_266 = arith.constant 0 : i32
      %dma_wait3A_267 = arith.constant 0 : i32
      %dma_wait3A_268 = tpu.memref_slice %arg2[%dma_wait3A_266, %dma_wait3A_267] : memref<100000x1024xf32, #tpu.memory_space<hbm>> -> memref<100000x1024xf32, #tpu.memory_space<hbm>>
      %dma_wait3A_269 = tpu.memref_slice %arg7[%dma_wait3A_260] : memref<4x!tpu.dma_semaphore, #tpu.memory_space<semaphore_mem>> -> memref<1x!tpu.dma_semaphore, #tpu.memory_space<semaphore_mem>>
      %dma_wait3A_270 = tpu.memref_squeeze %dma_wait3A_269 : memref<1x!tpu.dma_semaphore, #tpu.memory_space<semaphore_mem>> -> memref<!tpu.dma_semaphore, #tpu.memory_space<semaphore_mem>>
      tpu.wait_indirect_dma semaphore(%dma_wait3A_270 : memref<!tpu.dma_semaphore, #tpu.memory_space<semaphore_mem>>) src(%dma_wait3A_268 : memref<100000x1024xf32, #tpu.memory_space<hbm>>) dst(%dma_wait3A_264 : memref<16x1024xf32, #tpu.memory_space<vmem>>)
      %mul3A_271 = arith.constant 16 : i32
      %mul3A_272 = arith.muli %add3A_256, %mul3A_271 : i32
      %add3A_273 = arith.addi %mul3A_2, %mul3A_272 : i32
      %dma_start3A_274 = arith.constant 3 : i32
      %dma_start3A_275 = arith.constant 3 : i32
      %dma_start3A_276 = arith.constant 0 : i32
      %dma_start3A_277 = arith.constant 0 : i32
      %dma_start3A_278 = tpu.memref_slice %arg6[%dma_start3A_274, %dma_start3A_276, %dma_start3A_277] : memref<4x16x1024xf32, #tpu.memory_space<vmem>> -> memref<1x16x1024xf32, #tpu.memory_space<vmem>>
      %dma_start3A_279 = tpu.memref_squeeze %dma_start3A_278 : memref<1x16x1024xf32, #tpu.memory_space<vmem>> -> memref<16x1024xf32, #tpu.memory_space<vmem>>
      %dma_start3A_280 = arith.constant 0 : i32
      %dma_start3A_281 = tpu.memref_slice %arg4[%add3A_273, %dma_start3A_280] : memref<32768x1024xf32, #tpu.memory_space<hbm>> -> memref<16x1024xf32, #tpu.memory_space<hbm>>
      %dma_start3A_282 = tpu.memref_slice %arg8[%dma_start3A_275] : memref<4x!tpu.dma_semaphore, #tpu.memory_space<semaphore_mem>> -> memref<1x!tpu.dma_semaphore, #tpu.memory_space<semaphore_mem>>
      %dma_start3A_283 = tpu.memref_squeeze %dma_start3A_282 : memref<1x!tpu.dma_semaphore, #tpu.memory_space<semaphore_mem>> -> memref<!tpu.dma_semaphore, #tpu.memory_space<semaphore_mem>>
      %dma_start3A_284 = arith.constant 0 : i32
      %dma_start3A_285 = tpu.memref_slice %arg4[%add3A_273, %dma_start3A_284] : memref<32768x1024xf32, #tpu.memory_space<hbm>> -> memref<16x1024xf32, #tpu.memory_space<hbm>>
      %dma_start3A_286 = arith.constant 0 : i32
      %dma_start3A_287 = arith.constant 0 : i32
      %dma_start3A_288 = tpu.memref_slice %arg6[%dma_start3A_274, %dma_start3A_286, %dma_start3A_287] : memref<4x16x1024xf32, #tpu.memory_space<vmem>> -> memref<1x16x1024xf32, #tpu.memory_space<vmem>>
      %dma_start3A_289 = tpu.memref_squeeze %dma_start3A_288 : memref<1x16x1024xf32, #tpu.memory_space<vmem>> -> memref<16x1024xf32, #tpu.memory_space<vmem>>
      tpu.enqueue_dma source(%dma_start3A_289 : memref<16x1024xf32, #tpu.memory_space<vmem>>) target(%dma_start3A_285 : memref<16x1024xf32, #tpu.memory_space<hbm>>) target_semaphore(%dma_start3A_283 : memref<!tpu.dma_semaphore, #tpu.memory_space<semaphore_mem>>)
      %ge3A_290 = arith.constant 2 : i32
      %ge3A_291 = arith.cmpi sge, %add3A_256, %ge3A_290 : i32
      %convert_element_type3A_292 = arith.extui %ge3A_291 : i1 to i32
      %cond3A_293 = arith.constant 0 : i32
      %cond3A_294 = arith.cmpi ne, %convert_element_type3A_292, %cond3A_293 : i32
      scf.if %cond3A_294 {
        %sub3A_302 = arith.constant 2 : i32
        %sub3A_303 = arith.subi %add3A_256, %sub3A_302 : i32
        %mul3A_304 = arith.constant 16 : i32
        %mul3A_305 = arith.muli %sub3A_303, %mul3A_304 : i32
        %add3A_306 = arith.addi %mul3A_2, %mul3A_305 : i32
        %dma_wait3A_307 = arith.constant 1 : i32
        %dma_wait3A_308 = arith.constant 1 : i32
        %dma_wait3A_309 = arith.constant 0 : i32
        %dma_wait3A_310 = arith.constant 0 : i32
        %dma_wait3A_311 = tpu.memref_slice %arg6[%dma_wait3A_307, %dma_wait3A_309, %dma_wait3A_310] : memref<4x16x1024xf32, #tpu.memory_space<vmem>> -> memref<1x16x1024xf32, #tpu.memory_space<vmem>>
        %dma_wait3A_312 = tpu.memref_squeeze %dma_wait3A_311 : memref<1x16x1024xf32, #tpu.memory_space<vmem>> -> memref<16x1024xf32, #tpu.memory_space<vmem>>
        %dma_wait3A_313 = arith.constant 0 : i32
        %dma_wait3A_314 = tpu.memref_slice %arg4[%add3A_306, %dma_wait3A_313] : memref<32768x1024xf32, #tpu.memory_space<hbm>> -> memref<16x1024xf32, #tpu.memory_space<hbm>>
        %dma_wait3A_315 = tpu.memref_slice %arg8[%dma_wait3A_308] : memref<4x!tpu.dma_semaphore, #tpu.memory_space<semaphore_mem>> -> memref<1x!tpu.dma_semaphore, #tpu.memory_space<semaphore_mem>>
        %dma_wait3A_316 = tpu.memref_squeeze %dma_wait3A_315 : memref<1x!tpu.dma_semaphore, #tpu.memory_space<semaphore_mem>> -> memref<!tpu.dma_semaphore, #tpu.memory_space<semaphore_mem>>
        %dma_wait3A_317 = arith.constant 0 : i32
        %dma_wait3A_318 = tpu.memref_slice %arg4[%add3A_306, %dma_wait3A_317] : memref<32768x1024xf32, #tpu.memory_space<hbm>> -> memref<16x1024xf32, #tpu.memory_space<hbm>>
        %dma_wait3A_319 = arith.constant 0 : i32
        %dma_wait3A_320 = arith.constant 0 : i32
        %dma_wait3A_321 = tpu.memref_slice %arg6[%dma_wait3A_307, %dma_wait3A_319, %dma_wait3A_320] : memref<4x16x1024xf32, #tpu.memory_space<vmem>> -> memref<1x16x1024xf32, #tpu.memory_space<vmem>>
        %dma_wait3A_322 = tpu.memref_squeeze %dma_wait3A_321 : memref<1x16x1024xf32, #tpu.memory_space<vmem>> -> memref<16x1024xf32, #tpu.memory_space<vmem>>
        tpu.wait_dma2 semaphore(%dma_wait3A_316 : memref<!tpu.dma_semaphore, #tpu.memory_space<semaphore_mem>>) src(%dma_wait3A_322 : memref<16x1024xf32, #tpu.memory_space<vmem>>) dst(%dma_wait3A_318 : memref<16x1024xf32, #tpu.memory_space<hbm>>)
      } else {
      }
      %add3A_295 = arith.constant 2 : i32
      %add3A_296 = arith.addi %add3A_256, %add3A_295 : i32
      %lt3A_297 = arith.constant 64 : i32
      %lt3A_298 = arith.cmpi slt, %add3A_296, %lt3A_297 : i32
      %convert_element_type3A_299 = arith.extui %lt3A_298 : i1 to i32
      %cond3A_300 = arith.constant 0 : i32
      %cond3A_301 = arith.cmpi ne, %convert_element_type3A_299, %cond3A_300 : i32
      scf.if %cond3A_301 {
        %add3A_302 = arith.constant 2 : i32
        %add3A_303 = arith.addi %add3A_256, %add3A_302 : i32
        %mul3A_304 = arith.constant 16 : i32
        %mul3A_305 = arith.muli %add3A_303, %mul3A_304 : i32
        %dma_start3A_306 = arith.constant 1 : i32
        %dma_start3A_307 = arith.constant 1 : i32
        %dma_start3A_308 = arith.constant 0 : i32
        %dma_start3A_309 = arith.constant 0 : i32
        %dma_start3A_310 = tpu.memref_slice %arg6[%dma_start3A_306, %dma_start3A_308, %dma_start3A_309] : memref<4x16x1024xf32, #tpu.memory_space<vmem>> -> memref<1x16x1024xf32, #tpu.memory_space<vmem>>
        %dma_start3A_311 = tpu.memref_squeeze %dma_start3A_310 : memref<1x16x1024xf32, #tpu.memory_space<vmem>> -> memref<16x1024xf32, #tpu.memory_space<vmem>>
        %dma_start3A_312 = tpu.memref_slice %arg5[%mul3A_305] : memref<1024xi32, #tpu.memory_space<vmem>> -> memref<16xi32, #tpu.memory_space<vmem>>
        %dma_start3A_313 = arith.constant 0 : i32
        %dma_start3A_314 = arith.constant 0 : i32
        %dma_start3A_315 = tpu.memref_slice %arg2[%dma_start3A_313, %dma_start3A_314] : memref<100000x1024xf32, #tpu.memory_space<hbm>> -> memref<100000x1024xf32, #tpu.memory_space<hbm>>
        %dma_start3A_316 = tpu.memref_slice %arg7[%dma_start3A_307] : memref<4x!tpu.dma_semaphore, #tpu.memory_space<semaphore_mem>> -> memref<1x!tpu.dma_semaphore, #tpu.memory_space<semaphore_mem>>
        %dma_start3A_317 = tpu.memref_squeeze %dma_start3A_316 : memref<1x!tpu.dma_semaphore, #tpu.memory_space<semaphore_mem>> -> memref<!tpu.dma_semaphore, #tpu.memory_space<semaphore_mem>>
        tpu.enqueue_indirect_dma source(%dma_start3A_315 : memref<100000x1024xf32, #tpu.memory_space<hbm>>) target(%dma_start3A_311 : memref<16x1024xf32, #tpu.memory_space<vmem>>) offsets(%dma_start3A_312 : memref<16xi32, #tpu.memory_space<vmem>>) semaphore(%dma_start3A_317 : memref<!tpu.dma_semaphore, #tpu.memory_space<semaphore_mem>>)
      } else {
      }
    }
    %scan3A_71 = arith.constant 16 : i32
    %add3A_72 = arith.constant 992 : i32
    %add3A_73 = arith.addi %mul3A_2, %add3A_72 : i32
    %dma_wait3A_74 = arith.constant 2 : i32
    %dma_wait3A_75 = arith.constant 2 : i32
    %dma_wait3A_76 = arith.constant 0 : i32
    %dma_wait3A_77 = arith.constant 0 : i32
    %dma_wait3A_78 = tpu.memref_slice %arg6[%dma_wait3A_74, %dma_wait3A_76, %dma_wait3A_77] : memref<4x16x1024xf32, #tpu.memory_space<vmem>> -> memref<1x16x1024xf32, #tpu.memory_space<vmem>>
    %dma_wait3A_79 = tpu.memref_squeeze %dma_wait3A_78 : memref<1x16x1024xf32, #tpu.memory_space<vmem>> -> memref<16x1024xf32, #tpu.memory_space<vmem>>
    %dma_wait3A_80 = arith.constant 0 : i32
    %dma_wait3A_81 = tpu.memref_slice %arg4[%add3A_73, %dma_wait3A_80] : memref<32768x1024xf32, #tpu.memory_space<hbm>> -> memref<16x1024xf32, #tpu.memory_space<hbm>>
    %dma_wait3A_82 = tpu.memref_slice %arg8[%dma_wait3A_75] : memref<4x!tpu.dma_semaphore, #tpu.memory_space<semaphore_mem>> -> memref<1x!tpu.dma_semaphore, #tpu.memory_space<semaphore_mem>>
    %dma_wait3A_83 = tpu.memref_squeeze %dma_wait3A_82 : memref<1x!tpu.dma_semaphore, #tpu.memory_space<semaphore_mem>> -> memref<!tpu.dma_semaphore, #tpu.memory_space<semaphore_mem>>
    %dma_wait3A_84 = arith.constant 0 : i32
    %dma_wait3A_85 = tpu.memref_slice %arg4[%add3A_73, %dma_wait3A_84] : memref<32768x1024xf32, #tpu.memory_space<hbm>> -> memref<16x1024xf32, #tpu.memory_space<hbm>>
    %dma_wait3A_86 = arith.constant 0 : i32
    %dma_wait3A_87 = arith.constant 0 : i32
    %dma_wait3A_88 = tpu.memref_slice %arg6[%dma_wait3A_74, %dma_wait3A_86, %dma_wait3A_87] : memref<4x16x1024xf32, #tpu.memory_space<vmem>> -> memref<1x16x1024xf32, #tpu.memory_space<vmem>>
    %dma_wait3A_89 = tpu.memref_squeeze %dma_wait3A_88 : memref<1x16x1024xf32, #tpu.memory_space<vmem>> -> memref<16x1024xf32, #tpu.memory_space<vmem>>
    tpu.wait_dma2 semaphore(%dma_wait3A_83 : memref<!tpu.dma_semaphore, #tpu.memory_space<semaphore_mem>>) src(%dma_wait3A_89 : memref<16x1024xf32, #tpu.memory_space<vmem>>) dst(%dma_wait3A_85 : memref<16x1024xf32, #tpu.memory_space<hbm>>)
    %add3A_90 = arith.constant 1008 : i32
    %add3A_91 = arith.addi %mul3A_2, %add3A_90 : i32
    %dma_wait3A_92 = arith.constant 3 : i32
    %dma_wait3A_93 = arith.constant 3 : i32
    %dma_wait3A_94 = arith.constant 0 : i32
    %dma_wait3A_95 = arith.constant 0 : i32
    %dma_wait3A_96 = tpu.memref_slice %arg6[%dma_wait3A_92, %dma_wait3A_94, %dma_wait3A_95] : memref<4x16x1024xf32, #tpu.memory_space<vmem>> -> memref<1x16x1024xf32, #tpu.memory_space<vmem>>
    %dma_wait3A_97 = tpu.memref_squeeze %dma_wait3A_96 : memref<1x16x1024xf32, #tpu.memory_space<vmem>> -> memref<16x1024xf32, #tpu.memory_space<vmem>>
    %dma_wait3A_98 = arith.constant 0 : i32
    %dma_wait3A_99 = tpu.memref_slice %arg4[%add3A_91, %dma_wait3A_98] : memref<32768x1024xf32, #tpu.memory_space<hbm>> -> memref<16x1024xf32, #tpu.memory_space<hbm>>
    %dma_wait3A_100 = tpu.memref_slice %arg8[%dma_wait3A_93] : memref<4x!tpu.dma_semaphore, #tpu.memory_space<semaphore_mem>> -> memref<1x!tpu.dma_semaphore, #tpu.memory_space<semaphore_mem>>
    %dma_wait3A_101 = tpu.memref_squeeze %dma_wait3A_100 : memref<1x!tpu.dma_semaphore, #tpu.memory_space<semaphore_mem>> -> memref<!tpu.dma_semaphore, #tpu.memory_space<semaphore_mem>>
    %dma_wait3A_102 = arith.constant 0 : i32
    %dma_wait3A_103 = tpu.memref_slice %arg4[%add3A_91, %dma_wait3A_102] : memref<32768x1024xf32, #tpu.memory_space<hbm>> -> memref<16x1024xf32, #tpu.memory_space<hbm>>
    %dma_wait3A_104 = arith.constant 0 : i32
    %dma_wait3A_105 = arith.constant 0 : i32
    %dma_wait3A_106 = tpu.memref_slice %arg6[%dma_wait3A_92, %dma_wait3A_104, %dma_wait3A_105] : memref<4x16x1024xf32, #tpu.memory_space<vmem>> -> memref<1x16x1024xf32, #tpu.memory_space<vmem>>
    %dma_wait3A_107 = tpu.memref_squeeze %dma_wait3A_106 : memref<1x16x1024xf32, #tpu.memory_space<vmem>> -> memref<16x1024xf32, #tpu.memory_space<vmem>>
    tpu.wait_dma2 semaphore(%dma_wait3A_101 : memref<!tpu.dma_semaphore, #tpu.memory_space<semaphore_mem>>) src(%dma_wait3A_107 : memref<16x1024xf32, #tpu.memory_space<vmem>>) dst(%dma_wait3A_103 : memref<16x1024xf32, #tpu.memory_space<hbm>>)
    return
  }
}

</mosaic_0001>

<sc_bundles>
// kernel: kernel.3.cloned.1.call-start
scs
__scs_entry_jumppad:
0x0: {  	(pc) =	sbr.rel $0x88, $3  }
0x1: {  	(tag) =	ssettag $0x0;
	lr =	simm.s32 $0x1  }
0x2: {  	[smem:$0x3F9F] =	sst lr;
	_ =	strace $0xD0000000  }
0x3: {  	_ = 	snop  }
0x4: {  	_ = 	snop  }
0x5: {  	_ = 	snop  }
0x6: {  	_ = 	snop  }
0x7: {  	_ = 	snop  }
__scs_overlays_trampoline_lowered:
0x8: {  	[smem:$0x3FAE] =	sst s0  }
0x9: {  	[smem:$0x3FAF] =	sst s1  }
0xa: {  	[smem:$0x3FB0] =	sst s2  }
0xb: {  	[smem:$0x3FB1] =	sst s3  }
0xc: {  	[smem:$0x3FB2] =	sst s4  }
0xd: {  	[smem:$0x3FB3] =	sst s5  }
0xe: {  	[smem:$0x3FB4] =	sst s6  }
0xf: {  	[smem:$0x3FB5] =	sst s7  }
0x10: {  	[smem:$0x3FB6] =	sst s8  }
0x11: {  	[smem:$0x3FB7] =	sst s9;
	s0 =	simm.s32 @!p0 $0x0  }
0x12: {  	s1 =	sld [smem:$0x3F9D];
	s0 =	simm.s32 @p0 $0x1  }
0x13: {  	[smem:$0x3FB8] =	sst s0;
	s0 =	simm.s32 @!p1 $0x0  }
0x14: {  	s2 =	sld [smem:$0x3F9C];
	s0 =	simm.s32 @p1 $0x1  }
0x15: {  	[smem:$0x3FB9] =	sst s0;
	s0 =	simm.s32 @!p2 $0x0  }
0x16: {  	s3 =	sld [smem:$0x3FDB];
	s0 =	simm.s32 @p2 $0x1  }
0x17: {  	s4 =	simm.s32 $0x1BF5;
	[smem:$0x3FBB] =	sst s0  }
0x18: {  	s0 =	sld [smem:$0x3F9E];
	_ =	swait.ge [sflag:s4], $0x0  }
0x19: {  	s7 =	sld [smem:$0x3F9F]  }
0x1a: {  	s8 =	sadd.s32 $0xFFFFE003, lr  }
0x1b: {  	s9 =	sadd.s32 $0xFFFFFEF7, lr;
	s5 =	simm.s32 $0xFFFFFFFF;
	p2 =	slt.u32 s8, $0xFFFFF086  }
0x1c: {  	p1 =	slt.u32 s9, $0xF7A;
	s5 =	simm.s32 @!p2 $0x0  }
0x1d: {  	s5 =	simm.s32 @p1 $0x1;
	p0 =	seq.s32 s7, s2  }
0x1e: {  	s7 =	smul.u32 @!p0 $0xF7A, s2;
	p2 =	seq.s32 @!p0 s5, $0x0  }
0x1f: {  	s9 =	smul.u32 $0xF7A, s1;
	s8 =	simm.s32 @!p0 $0x1BF5;
	p2 =	por !p2, p0  }
0x20: {  	[sflag:s8] =	ssyncset.s32 @!p0 $0xFFFFF086;
	s6 =	sadd.s32 @!p0 s3, s7;
	s7 =	simm.s32 @!p0 $0x108  }
0x21: {  	s3 =	sadd.s32 s3, s9;
	s6 =	sadd.s32 @!p0 $0x88, s6;
	s7 =	simm.s32 @p2 $0x1082  }
0x22: {  	[simem:s7], [sflag:s8] =	dma.local @!p0 [hbm:s6], $0xF7A  }
0x23: {  	s9 =	sor.u32 $0xD0000000, s2;
	s6 =	simm.s32 $0x108;
	_ =	swait.ge @!p0 [sflag:s8], $0x0  }
0x24: {  	s3 =	sadd.s32 $0x88, s3;
	s6 =	simm.s32 @!p1 $0x1082;
	[sflag:s4] =	ssyncset.s32 $0xFFFFF086  }
0x25: {  	[simem:s6], [sflag:s4] =	dma.local [hbm:s3], $0xF7A  }
0x26: {  	[smem:$0x3F9F] =	sst s1;
	(tag) =	ssettag s2;
	_ =	strace s9  }
0x27: {  	s1 =	sld [smem:$0x3FAF]  }
0x28: {  	s2 =	sld [smem:$0x3FB0]  }
0x29: {  	s4 =	sld [smem:$0x3FB2]  }
0x2a: {  	p0 =	seq.s32 s5, $0x0;
	s5 =	sld [smem:$0x3FB3]  }
0x2b: {  	s6 =	sld [smem:$0x3FB4]  }
0x2c: {  	s7 =	sld [smem:$0x3FB5]  }
0x2d: {  	s3 =	simm.s32 $0x108;
	s8 =	sld [smem:$0x3FB6]  }
0x2e: {  	s3 =	simm.s32 @!p0 $0x1082;
	s9 =	sld [smem:$0x3FB7]  }
0x2f: {  	lr =	sadd.s32 s0, s3;
	s0 =	sld [smem:$0x3FAE]  }
0x30: {  	s3 =	sld [smem:$0x3FB1]  }
0x31: {  	[smem:$0x3FBA] =	sst s10  }
0x32: {  	s10 =	sld [smem:$0x3FB8];
	_ =	sdelay $0x3  }
0x33: {  	p0 =	seq.s32 s10, $0x1;
	s10 =	sld [smem:$0x3FBA];
	_ =	sdelay $0x3  }
0x34: {  	[smem:$0x3FBA] =	sst s10  }
0x35: {  	s10 =	sld [smem:$0x3FB9];
	_ =	sdelay $0x3  }
0x36: {  	p1 =	seq.s32 s10, $0x1;
	s10 =	sld [smem:$0x3FBA];
	_ =	sdelay $0x3  }
0x37: {  	[smem:$0x3FBA] =	sst s10  }
0x38: {  	s10 =	sld [smem:$0x3FBB]  }
0x39: {  	_ = 	snop;
	(pc) =	sbr.ind lr, $3  }
0x3a: {  	_ = 	snop  }
0x3b: {  	_ = 	snop  }
0x3c: {  	p2 =	seq.s32 s10, $0x1;
	s10 =	sld [smem:$0x3FBA]  }
0x3d: {  	_ =	shalt  }
0x3e: {  	_ =	shalt  }
0x3f: {  	_ =	shalt  }
0x40: {  	_ =	shalt  }
0x41: {  	_ =	shalt  }
0x42: {  	_ =	shalt  }
0x43: {  	_ =	shalt  }
0x44: {  	_ =	shalt  }
0x45: {  	_ =	shalt  }
0x46: {  	_ =	shalt  }
0x47: {  	_ =	shalt  }
0x48: {  	_ =	shalt  }
0x49: {  	_ =	shalt  }
0x4a: {  	_ =	shalt  }
0x4b: {  	_ =	shalt  }
0x4c: {  	_ =	shalt  }
0x4d: {  	_ =	shalt  }
0x4e: {  	_ =	shalt  }
0x4f: {  	_ =	shalt  }
0x50: {  	_ =	shalt  }
0x51: {  	_ =	shalt  }
0x52: {  	_ =	shalt  }
0x53: {  	_ =	shalt  }
0x54: {  	_ =	shalt  }
0x55: {  	_ =	shalt  }
0x56: {  	_ =	shalt  }
0x57: {  	_ =	shalt  }
0x58: {  	_ =	shalt  }
0x59: {  	_ =	shalt  }
0x5a: {  	_ =	shalt  }
0x5b: {  	_ =	shalt  }
0x5c: {  	_ =	shalt  }
0x5d: {  	_ =	shalt  }
0x5e: {  	_ =	shalt  }
0x5f: {  	_ =	shalt  }
0x60: {  	_ =	shalt  }
0x61: {  	_ =	shalt  }
0x62: {  	_ =	shalt  }
0x63: {  	_ =	shalt  }
0x64: {  	_ =	shalt  }
0x65: {  	_ =	shalt  }
0x66: {  	_ =	shalt  }
0x67: {  	_ =	shalt  }
0x68: {  	_ =	shalt  }
0x69: {  	_ =	shalt  }
0x6a: {  	_ =	shalt  }
0x6b: {  	_ =	shalt  }
0x6c: {  	_ =	shalt  }
0x6d: {  	_ =	shalt  }
0x6e: {  	_ =	shalt  }
0x6f: {  	_ =	shalt  }
0x70: {  	_ =	shalt  }
0x71: {  	_ =	shalt  }
0x72: {  	_ =	shalt  }
0x73: {  	_ =	shalt  }
0x74: {  	_ =	shalt  }
0x75: {  	_ =	shalt  }
0x76: {  	_ =	shalt  }
0x77: {  	_ =	shalt  }
0x78: {  	_ =	shalt  }
0x79: {  	_ =	shalt  }
0x7a: {  	_ =	shalt  }
0x7b: {  	_ =	shalt  }
0x7c: {  	_ =	shalt  }
0x7d: {  	_ =	shalt  }
0x7e: {  	_ =	shalt  }
0x7f: {  	_ =	shalt  }
0x80: {  	_ =	shalt  }
0x81: {  	_ =	shalt  }
0x82: {  	_ =	shalt  }
0x83: {  	_ =	shalt  }
0x84: {  	_ =	shalt  }
0x85: {  	_ =	shalt  }
0x86: {  	_ =	shalt  }
0x87: {  	_ =	shalt  }
.Lfunc_end0:
.L_simem_size_0:
called_computation_lowered:
.L_overlay_start_0:
0x88: {  	s2 =	sld [smem:$0x3FD9]  }
0x89: {  	s3 =	sld [smem:$0x3FFE];
	_ =	sdelay $0x1  }
0x8a: {  	s1 =	srdreg.scid  }
0x8b: {  	s0 =	sand.u32 $0x1, s1  }
0x8c: {  	s18 =	sshll.u32 s0, $0xA;
	s2 =	sadd.s32 s3, s2  }
0x8d: {  	s2 =	sadd.s32 s2, s18  }
0x8e: {  	[smem:$0x3FC6] =	sst s2  }
0x8f: {  	_ = 	snop  }
0x90: {  	s2 =	sld [smem:$0x3FC9]  }
0x91: {  	s19 =	sld [smem:$0x3FC8]  }
0x92: {  	s4 =	sld [smem:$0x3FD0];
	(tm) =	ssettm $0x1  }
0x93: {  	s5 =	sld [smem:$0x3FFB];
	_ =	sdelay $0x3  }
0x94: {  	_ =	strace s5  }
0x95: {  	s5 =	sld [smem:$0x3FFC];
	_ =	sdelay $0x3  }
0x96: {  	_ =	strace s5  }
0x97: {  	s5 =	sld [smem:$0x3FFD];
	_ =	sdelay $0x3  }
0x98: {  	_ =	strace s5  }
0x99: {  	_ =	strace $0x8FFFFFFF  }
0x9a: {  	s20 =	sld [smem:$0x3FDB];
	_ =	sdelay $0x1  }
0x9b: {  	s6 =	simm.s32 $_scs_section_size  }
0x9c: {  	s7 =	simm.s32 $_size__tile_overlayer_lowered;
	s8 =	simm.s32 $_tile_overlayer_lowered  }
0x9d: {  	s23 =	simm.s32 $0x1BFF;
	s22 =	sshll.u32 s8, $0x1;
	s5 =	sadd.s32 s6, s20  }
0x9e: {  	s9 =	simm.s32 $0x0;
	s21 =	sshll.u32 s7, $0x1;
	s7 =	sadd.s32 s22, s5  }
0x9f: {  	[timem:s9], [sflag:s23] =	dma.local [hbm:s7], s21  }
0xa0: {  	_ =	swait.ge [sflag:s23], s21  }
0xa1: {  	s6 =	ssub.s32 $0x0, s21;
	[sflag:s23] =	ssyncset.done $0x0  }
0xa2: {  	[sflag:s23] =	ssyncadd.s32 s6;
	_ =	sdelay $0x1  }
0xa3: {  	s24 =	simm.s32 $0x1B8B  }
0xa4: {  	_ =	swait.ge [sflag:s24], $0x1  }
0xa5: {  	[sflag:s24] =	ssyncset.done $0x0  }
0xa6: {  	s25 =	simm.s32 $0x1B8E;
	[sflag:s24] =	ssyncadd.s32 $0xFFFFFFFF  }
0xa7: {  	s26 =	simm.s32 $execute0_lowered;
	[smem:$0x3FD2] =	sst s25  }
0xa8: {  	s6 =	sshll.u32 s26, $0x1;
	_ =	strace $0x80000046;
	[dreg:$0x1] =	wrdreg $0xFFFFFFFF  }
0xa9: {  	s28 =	simm.s32 $_size_execute0_lowered;
	s5 =	sadd.s32 s5, s6;
	[dreg:$0x0] =	wrdreg $0x0  }
0xaa: {  	s6 =	sshll.u32 s28, $0x1;
	[dreg:$0x2] =	wrdreg s5  }
0xab: {  	[dreg:$0x3] =	wrdreg s6  }
0xac: {  	[dreg:$0x4] =	wrdreg $0xC0  }
0xad: {  	_ =	task [dreg:s9], $0x5FFFF  }
0xae: {  	[dreg:$0x1] =	wrdreg $0xFFFFFFFF  }
0xaf: {  	[dreg:$0x0] =	wrdreg $0x60  }
0xb0: {  	[dreg:$0x2] =	wrdreg s19  }
0xb1: {  	[dreg:$0x3] =	wrdreg s2  }
0xb2: {  	[dreg:$0x4] =	wrdreg s4  }
0xb3: {  	[dreg:$0x5] =	wrdreg $0x9  }
0xb4: {  	_ =	task.clear_ibuf [dreg:s9], $0x6FFFF;
	_ =	strace $0x90000046  }
0xb5: {  	s29 =	simm.s32 $0x9;
	_ =	strace $0x80000048  }
0xb6: {  	_ =	swait.ge [sflag:s29], $0x1  }
0xb7: {  	[sflag:s29] =	ssyncadd.s32 $0xFFFFFFFF  }
0xb8: {  	_ =	strace $0x90000048  }
0xb9: {  	_ =	sfence  }
0xba: {  	s30 =	sld [smem:$0x0];
	_ =	sdelay $0x2  }
0xbb: {  	s31 =	sshll.u32 s1, $0xD;
	s1 =	sshrl.u32 s1, $0x2  }
0xbc: {  	s3 =	sand.u32 $0x4000, s31;
	s1 =	sadd.s32 s1, s30  }
0xbd: {  	s0 =	sor.u32 s3, s0;
	s1 =	sshll.u32 s1, $0x11  }
0xbe: {  	s0 =	sor.u32 s1, s0  }
0xbf: {  	s0 =	sadd.s32 $0x8F2B, s0  }
0xc0: {  	[sflag:s0] =	ssyncadd.remote.s32 $0x1  }
0xc1: {  	_ =	sfence.sel $0xFFFF  }
0xc2: {  	[dreg:$0x0] =	wrdreg $0xFFFFFFFF;
	(pc) =	sbr.abs _section_cstart, $3  }
0xc3: {  	[dreg:$0x1] =	wrdreg $0xFFFFFFFF  }
0xc4: {  	_ =	task.clear_ibuf [dreg:s9], $0x2FFFF;
	_ =	strace $0x9FFFFFFF  }
0xc5: {  	(tm) =	ssettm $0x7FFFFFFF  }
tec
execute0_lowered:
.L_overlay_start_1:
0x0: {  	(tag) =	ssettag $0x1  }
0x1: {  	s1 =	rddreg [dreg:$0x0]  }
0x2: {  	s0 =	rddreg [dreg:$0x1]  }
0x3: {  	s2 =	rddreg [dreg:$0x2];
	s3 =	simm.s32 $0x0  }
0x4: {  	s4 =	srdreg.scid;
	s9 =	stileid.u32;
	s21 =	simm.s32 $0x4400  }
0x5: {  	s30 =	simm.s32 $0x1;
	s31 =	simm.s32 $0x8400;
	s11 =	simm.s32 $0xA400  }
0x6: {  	s14 =	simm.s32 $0xAC00;
	s15 =	simm.s32 $0xB400;
	s16 =	simm.s32 $0xBC00  }
0x7: {  	s17 =	simm.s32 $0x2;
	s18 =	simm.s32 $0xC400;
	s19 =	simm.s32 $0xCC00  }
0x8: {  	s20 =	simm.s32 $0xD400;
	s12 =	simm.s32 $0xEC00;
	s13 =	simm.s32 $0xF400  }
0x9: {  	s22 =	simm.s32 $0xFC00;
	s23 =	simm.s32 $0x3;
	s24 =	simm.s32 $0x5  }
0xa: {  	s10 =	simm.s32 $0x0;
	[smem:$0x7FF] =	sst s3;
	s4 =	sand.u32 $0x1, s4  }
0xb: {  	s5 =	sshll.u32 s9, $0xA;
	s7 =	sshll.u32 s9, $0x2;
	s28 =	sshll.u32 s9, $0x12  }
0xc: {  	_ =	strace $0x80000047;
	s6 =	sshll.u32 s4, $0x9;
	s8 =	ssub.s32 $0x2, s4  }
0xd: {  	s25 =	sand.u32 $0x30, s7;
	s7 =	sadd.s32 $0x300, s1;
	s29 =	sshll.u32 s4, $0x11  }
0xe: {  	s4 =	simm.s32 $0xDC00;
	s5 =	sor.u32 s6, s5;
	s26 =	sshrl.u32 s8, $0x1  }
.Ltmp0:
0xf: {  	s0 =	sadd.s32 s0, s25;
	s6 =	sadd.s32 $0x200, s1;
	(pc) =	sbr.rel .LBB2_1-.Ltmp0, $4  }
0x10: {  	s25 =	simm.s32 $0x4;
	s5 =	sand.u32 $0xE00, s5;
	s8 =	ssub.s32 s8, s26  }
0x11: {  	v2 =	vlaneseq.u32;
	s26 =	simm.s32 $0x6;
	s0 =	sadd.s32 s5, s0;
	s5 =	sadd.s32 $0x100, s1  }
0x12: {  	vm0 =	vmmov $0xffff;
	v1 =	vshrl.u32 v2, $0x3;
	s8 =	smax.u32 s8, $0x1;
	[dreg:$0x4] =	wrdreg s0;
	s0 =	sadd.s32 s28, s2  }
0x13: {  	v0 =	vand.u32 $0x7, v2;
	v2 =	vor.u32 $0x8, v2;
	v1 =	vmul.u32 $0x8, v1;
	[dreg:$0x5] =	wrdreg s8;
	s8 =	simm.s32 $0xE400;
	s9 =	sadd.s32 s29, s0  }
.LBB2_4:
0x14: {  	s0 =	simm.s32 $0x7  }
0x15: {  	_ =	swait.ge [sflag:s0], $0x4000  }
0x16: {  	[sflag:s0] =	ssyncset.done $0x0  }
0x17: {  	s2 =	simm.s32 $0x8;
	[sflag:s0] =	ssyncadd.s32 $0xFFFFC000  }
0x18: {  	_ =	swait.ge [sflag:s2], $0x4000  }
0x19: {  	s10 =	rddreg [dreg:$0x6]  }
0x1a: {  	s29 =	rddreg [dreg:$0x5];
	s10 =	sadd.s32 $0x1, s10  }
0x1b: {  	p0 =	sne.s32 s10, s29  }
.Ltmp1:
0x1c: {  	_ = 	snop;
	(pc) =	sbr.rel @!p0 .LBB2_5-.Ltmp1, $3  }
0x1d: {  	_ =	sdelay $0x1  }
0x1e: {  	[sflag:s2] =	ssyncset.done $0x0  }
0x1f: {  	[sflag:s2] =	ssyncadd.s32 $0xFFFFC000  }
.LBB2_1:
0x20: {  	[dreg:$0x6] =	wrdreg s10  }
0x21: {  	s0 =	rddreg [dreg:$0x4];
	s2 =	simm.s32 $0x80;
	s10 =	simm.s32 $0x200  }
0x22: {  	[tilespmem:s3], [sflag:$0x9] =	stream.strided.gather [hbm4b:s0+s2], $0x400, s10, s2, $0x38;
	[tilespmem:$0x10400] =	vst v63  }
0x23: {  	s2 =	simm.s32 $0x9  }
0x24: {  	_ =	swait.ge [sflag:s2], $0x400  }
0x25: {  	[sflag:s2] =	ssyncset.done $0x0  }
0x26: {  	[sflag:s2] =	ssyncadd.s32 $0xFFFFFC00  }
0x27: {  	v3 =	vld [tilespmem:$0x0];
	_ =	sdelay $0x4  }
0x28: {  	v4 =	vshll.u32 v3, $0x3  }
0x29: {  	v3 =	vand.u32 $0x7, v3;
	v4 =	vand.u32 $0xFFFFFFC0, v4  }
0x2a: {  	v3 =	vor.u32 v3, v4  }
0x2b: {  	v4 =	vperm.xlane v3, v0;
	_ =	sdelay $0x1  }
0x2c: {  	v4 =	vadd.s32 v1, v4;
	_ =	sdelay $0x3  }
0x2d: {  	s10 =	simm.s32 $0x400  }
0x2e: {  	[tilespmem:s10], [sflag:$0x1] =	stream.indirect_vreg.gather [hbm4b:s1+s3], $0x80, v4, vm0, $0xb8;
	[tilespmem:$0x10400] =	vst v63  }
0x2f: {  	s2 =	simm.s32 $0xC00;
	v3 =	vperm.xlane v3, v2  }
0x30: {  	[tilespmem:s2], [sflag:$0x1] =	stream.indirect_vreg.gather [hbm4b:s5+s3], $0x80, v4, vm0, $0xb8;
	[tilespmem:$0x10400] =	vst v63  }
0x31: {  	v3 =	vadd.s32 v1, v3;
	s10 =	simm.s32 $0x1400  }
0x32: {  	[tilespmem:s10], [sflag:$0x1] =	stream.indirect_vreg.gather [hbm4b:s6+s3], $0x80, v4, vm0, $0xb8;
	[tilespmem:$0x10400] =	vst v63  }
0x33: {  	s2 =	simm.s32 $0x1C00  }
0x34: {  	[tilespmem:s2], [sflag:$0x1] =	stream.indirect_vreg.gather [hbm4b:s7+s3], $0x80, v4, vm0, $0xb8;
	[tilespmem:$0x10400] =	vst v63  }
0x35: {  	s10 =	simm.s32 $0x2400  }
0x36: {  	[tilespmem:s10], [sflag:$0x1] =	stream.indirect_vreg.gather [hbm4b:s1+s3], $0x80, v3, vm0, $0xb8;
	[tilespmem:$0x10400] =	vst v63  }
0x37: {  	s2 =	simm.s32 $0x2C00  }
0x38: {  	[tilespmem:s2], [sflag:$0x1] =	stream.indirect_vreg.gather [hbm4b:s5+s3], $0x80, v3, vm0, $0xb8;
	[tilespmem:$0x10400] =	vst v63  }
0x39: {  	s10 =	simm.s32 $0x3400  }
0x3a: {  	[tilespmem:s10], [sflag:$0x1] =	stream.indirect_vreg.gather [hbm4b:s6+s3], $0x80, v3, vm0, $0xb8;
	[tilespmem:$0x10400] =	vst v63  }
0x3b: {  	s2 =	simm.s32 $0x3C00  }
0x3c: {  	[tilespmem:s2], [sflag:$0x1] =	stream.indirect_vreg.gather [hbm4b:s7+s3], $0x80, v3, vm0, $0xb8;
	[tilespmem:$0x10400] =	vst v63  }
0x3d: {  	v3 =	vld [tilespmem:$0x10];
	_ =	sdelay $0x4  }
0x3e: {  	v63 =	vshll.u32 v3, $0x3  }
0x3f: {  	v3 =	vand.u32 $0x7, v3;
	v4 =	vand.u32 $0xFFFFFFC0, v63  }
0x40: {  	v3 =	vor.u32 v3, v4  }
0x41: {  	v4 =	vperm.xlane v3, v0;
	_ =	sdelay $0x1  }
0x42: {  	v4 =	vadd.s32 v1, v4;
	_ =	sdelay $0x4  }
0x43: {  	[tilespmem:s21], [sflag:$0x2] =	stream.indirect_vreg.gather [hbm4b:s1+s3], $0x80, v4, vm0, $0xb8;
	[tilespmem:$0x10400] =	vst v63  }
0x44: {  	s10 =	simm.s32 $0x4C00;
	v3 =	vperm.xlane v3, v2  }
0x45: {  	[tilespmem:s10], [sflag:$0x2] =	stream.indirect_vreg.gather [hbm4b:s5+s3], $0x80, v4, vm0, $0xb8;
	[tilespmem:$0x10400] =	vst v63  }
0x46: {  	s2 =	simm.s32 $0x5400;
	v3 =	vadd.s32 v1, v3  }
0x47: {  	[tilespmem:s2], [sflag:$0x2] =	stream.indirect_vreg.gather [hbm4b:s6+s3], $0x80, v4, vm0, $0xb8;
	[tilespmem:$0x10400] =	vst v63  }
0x48: {  	s10 =	simm.s32 $0x5C00  }
0x49: {  	[tilespmem:s10], [sflag:$0x2] =	stream.indirect_vreg.gather [hbm4b:s7+s3], $0x80, v4, vm0, $0xb8;
	[tilespmem:$0x10400] =	vst v63  }
0x4a: {  	s2 =	simm.s32 $0x6400  }
0x4b: {  	[tilespmem:s2], [sflag:$0x2] =	stream.indirect_vreg.gather [hbm4b:s1+s3], $0x80, v3, vm0, $0xb8;
	[tilespmem:$0x10400] =	vst v63  }
0x4c: {  	s10 =	simm.s32 $0x6C00  }
0x4d: {  	[tilespmem:s10], [sflag:$0x2] =	stream.indirect_vreg.gather [hbm4b:s5+s3], $0x80, v3, vm0, $0xb8;
	[tilespmem:$0x10400] =	vst v63  }
0x4e: {  	s2 =	simm.s32 $0x7400  }
0x4f: {  	[tilespmem:s2], [sflag:$0x2] =	stream.indirect_vreg.gather [hbm4b:s6+s3], $0x80, v3, vm0, $0xb8;
	[tilespmem:$0x10400] =	vst v63  }
0x50: {  	s28 =	simm.s32 $0x30;
	s29 =	simm.s32 $0x0;
	s10 =	simm.s32 $0x7C00  }
0x51: {  	[tilespmem:s10], [sflag:$0x2] =	stream.indirect_vreg.gather [hbm4b:s7+s3], $0x80, v3, vm0, $0xb8;
	[tilespmem:$0x10400] =	vst v63  }
.LBB2_2:
0x52: {  	_ =	swait.ge [sflag:s30], $0x4000  }
0x53: {  	s0 =	sadd.s32 s29, s9;
	[sflag:s30] =	ssyncset.done $0x0  }
0x54: {  	s2 =	simm.s32 $0x400;
	p0 =	seq.s32 s29, $0x0;
	[sflag:s30] =	ssyncadd.s32 $0xFFFFC000  }
0x55: {  	[hbm4b:s0+s3] =	stream.linear.scatter [tilespmem:s2], [sflag:$0x5], $0x4000, $0x38;
	[tilespmem:$0x10400] =	vst v63  }
0x56: {  	s2 =	simm.s32 @!p0 $0x7  }
0x57: {  	_ =	swait.ge @!p0 [sflag:s2], $0x4000  }
0x58: {  	[sflag:s2] =	ssyncset.done @!p0 $0x0  }
0x59: {  	[sflag:s2] =	ssyncadd.s32 @!p0 $0xFFFFC000  }
0x5a: {  	v3 =	vld [tilespmem:s28+$0xFFFFFFF0];
	_ =	sdelay $0x4  }
0x5b: {  	v4 =	vshll.u32 v3, $0x3  }
0x5c: {  	v3 =	vand.u32 $0x7, v3;
	v4 =	vand.u32 $0xFFFFFFC0, v4  }
0x5d: {  	v3 =	vor.u32 v3, v4  }
0x5e: {  	v4 =	vperm.xlane v3, v0;
	_ =	sdelay $0x1  }
0x5f: {  	v4 =	vadd.s32 v1, v4;
	_ =	sdelay $0x4  }
0x60: {  	[tilespmem:s31], [sflag:$0x3] =	stream.indirect_vreg.gather [hbm4b:s1+s3], $0x80, v4, vm0, $0xb8;
	[tilespmem:$0x10400] =	vst v63  }
0x61: {  	s10 =	simm.s32 $0x8C00;
	v3 =	vperm.xlane v3, v2  }
0x62: {  	[tilespmem:s10], [sflag:$0x3] =	stream.indirect_vreg.gather [hbm4b:s5+s3], $0x80, v4, vm0, $0xb8;
	[tilespmem:$0x10400] =	vst v63  }
0x63: {  	v3 =	vadd.s32 v1, v3;
	s10 =	simm.s32 $0x9400  }
0x64: {  	[tilespmem:s10], [sflag:$0x3] =	stream.indirect_vreg.gather [hbm4b:s6+s3], $0x80, v4, vm0, $0xb8;
	[tilespmem:$0x10400] =	vst v63  }
0x65: {  	s10 =	simm.s32 $0x9C00  }
0x66: {  	[tilespmem:s10], [sflag:$0x3] =	stream.indirect_vreg.gather [hbm4b:s7+s3], $0x80, v4, vm0, $0xb8;
	[tilespmem:$0x10400] =	vst v63  }
0x67: {  	_ = 	snop  }
0x68: {  	[tilespmem:s11], [sflag:$0x3] =	stream.indirect_vreg.gather [hbm4b:s1+s3], $0x80, v3, vm0, $0xb8;
	[tilespmem:$0x10400] =	vst v63  }
0x69: {  	_ = 	snop  }
0x6a: {  	[tilespmem:s14], [sflag:$0x3] =	stream.indirect_vreg.gather [hbm4b:s5+s3], $0x80, v3, vm0, $0xb8;
	[tilespmem:$0x10400] =	vst v63  }
0x6b: {  	_ = 	snop  }
0x6c: {  	[tilespmem:s15], [sflag:$0x3] =	stream.indirect_vreg.gather [hbm4b:s6+s3], $0x80, v3, vm0, $0xb8;
	[tilespmem:$0x10400] =	vst v63  }
0x6d: {  	_ = 	snop  }
0x6e: {  	[tilespmem:s16], [sflag:$0x3] =	stream.indirect_vreg.gather [hbm4b:s7+s3], $0x80, v3, vm0, $0xb8;
	[tilespmem:$0x10400] =	vst v63  }
0x6f: {  	_ =	swait.ge [sflag:s17], $0x4000  }
0x70: {  	[sflag:s17] =	ssyncset.done $0x0  }
0x71: {  	s2 =	simm.s32 @!p0 $0x8;
	s10 =	sadd.s32 $0x800, s0;
	[sflag:s17] =	ssyncadd.s32 $0xFFFFC000  }
0x72: {  	[hbm4b:s10+s3] =	stream.linear.scatter [tilespmem:s21], [sflag:$0x6], $0x4000, $0x38;
	[tilespmem:$0x10400] =	vst v63  }
0x73: {  	_ =	swait.ge @!p0 [sflag:s2], $0x4000  }
0x74: {  	[sflag:s2] =	ssyncset.done @!p0 $0x0  }
0x75: {  	[sflag:s2] =	ssyncadd.s32 @!p0 $0xFFFFC000  }
0x76: {  	v3 =	vld [tilespmem:s28+$0x0];
	_ =	sdelay $0x4  }
0x77: {  	v63 =	vshll.u32 v3, $0x3  }
0x78: {  	v3 =	vand.u32 $0x7, v3;
	v4 =	vand.u32 $0xFFFFFFC0, v63  }
0x79: {  	v3 =	vor.u32 v3, v4  }
0x7a: {  	v4 =	vperm.xlane v3, v0;
	_ =	sdelay $0x1  }
0x7b: {  	v4 =	vadd.s32 v1, v4;
	_ =	sdelay $0x4  }
0x7c: {  	[tilespmem:s18], [sflag:$0x4] =	stream.indirect_vreg.gather [hbm4b:s1+s3], $0x80, v4, vm0, $0xb8;
	[tilespmem:$0x10400] =	vst v63  }
0x7d: {  	v3 =	vperm.xlane v3, v2  }
0x7e: {  	[tilespmem:s19], [sflag:$0x4] =	stream.indirect_vreg.gather [hbm4b:s5+s3], $0x80, v4, vm0, $0xb8;
	[tilespmem:$0x10400] =	vst v63  }
0x7f: {  	v3 =	vadd.s32 v1, v3  }
0x80: {  	[tilespmem:s20], [sflag:$0x4] =	stream.indirect_vreg.gather [hbm4b:s6+s3], $0x80, v4, vm0, $0xb8;
	[tilespmem:$0x10400] =	vst v63  }
0x81: {  	_ = 	snop  }
0x82: {  	[tilespmem:s4], [sflag:$0x4] =	stream.indirect_vreg.gather [hbm4b:s7+s3], $0x80, v4, vm0, $0xb8;
	[tilespmem:$0x10400] =	vst v63  }
0x83: {  	_ = 	snop  }
0x84: {  	[tilespmem:s8], [sflag:$0x4] =	stream.indirect_vreg.gather [hbm4b:s1+s3], $0x80, v3, vm0, $0xb8;
	[tilespmem:$0x10400] =	vst v63  }
0x85: {  	_ = 	snop  }
0x86: {  	[tilespmem:s12], [sflag:$0x4] =	stream.indirect_vreg.gather [hbm4b:s5+s3], $0x80, v3, vm0, $0xb8;
	[tilespmem:$0x10400] =	vst v63  }
0x87: {  	_ = 	snop  }
0x88: {  	[tilespmem:s13], [sflag:$0x4] =	stream.indirect_vreg.gather [hbm4b:s6+s3], $0x80, v3, vm0, $0xb8;
	[tilespmem:$0x10400] =	vst v63  }
0x89: {  	_ = 	snop  }
0x8a: {  	[tilespmem:s22], [sflag:$0x4] =	stream.indirect_vreg.gather [hbm4b:s7+s3], $0x80, v3, vm0, $0xb8;
	[tilespmem:$0x10400] =	vst v63  }
0x8b: {  	_ =	swait.ge [sflag:s23], $0x4000  }
0x8c: {  	[sflag:s23] =	ssyncset.done $0x0  }
0x8d: {  	s10 =	sadd.s32 $0x1000, s0;
	[sflag:s23] =	ssyncadd.s32 $0xFFFFC000  }
0x8e: {  	[hbm4b:s10+s3] =	stream.linear.scatter [tilespmem:s31], [sflag:$0x7], $0x4000, $0x38;
	[tilespmem:$0x10400] =	vst v63  }
0x8f: {  	_ =	swait.ge [sflag:s24], $0x4000  }
0x90: {  	[sflag:s24] =	ssyncset.done $0x0  }
0x91: {  	p0 =	seq.s32 s29, $0x1E000;
	[sflag:s24] =	ssyncadd.s32 $0xFFFFC000  }
0x92: {  	v3 =	vld @!p0 [tilespmem:s28+$0x10];
	_ =	sdelay $0x4  }
0x93: {  	v4 =	vshll.u32 @!p0 v3, $0x3  }
0x94: {  	v5 =	vlaneseq.u32 @!p0;
	v3 =	vand.u32 @!p0 $0x7, v3;
	v4 =	vand.u32 @!p0 $0xFFFFFFC0, v4  }
0x95: {  	v6 =	vshrl.u32 @!p0 v5, $0x3;
	v3 =	vor.u32 @!p0 v3, v4;
	v4 =	vand.u32 @!p0 $0x7, v5  }
0x96: {  	v6 =	vmul.u32 @!p0 $0x8, v6;
	v4 =	vperm.xlane @!p0 v3, v4;
	_ =	sdelay $0x1  }
0x97: {  	v4 =	vadd.s32 @!p0 v6, v4;
	_ =	sdelay $0x3  }
0x98: {  	vm1 =	vmmov @!p0 $0xffff;
	s2 =	simm.s32 @!p0 $0x0;
	s10 =	simm.s32 @!p0 $0x400  }
0x99: {  	v5 =	vor.u32 @!p0 $0x8, v5;
	[tilespmem:s10], [sflag:$0x1] =	stream.indirect_vreg.gather @!p0 [hbm4b:s1+s2], $0x80, v4, vm1, $0xb8;
	[tilespmem:$0x10400] =	vst v63  }
0x9a: {  	v3 =	vperm.xlane @!p0 v3, v5;
	s10 =	simm.s32 @!p0 $0xC00  }
0x9b: {  	[tilespmem:s10], [sflag:$0x1] =	stream.indirect_vreg.gather @!p0 [hbm4b:s5+s2], $0x80, v4, vm1, $0xb8;
	[tilespmem:$0x10400] =	vst v63  }
0x9c: {  	v3 =	vadd.s32 @!p0 v6, v3;
	s10 =	simm.s32 @!p0 $0x1400  }
0x9d: {  	[tilespmem:s10], [sflag:$0x1] =	stream.indirect_vreg.gather @!p0 [hbm4b:s6+s2], $0x80, v4, vm1, $0xb8;
	[tilespmem:$0x10400] =	vst v63  }
0x9e: {  	s10 =	simm.s32 @!p0 $0x1C00  }
0x9f: {  	[tilespmem:s10], [sflag:$0x1] =	stream.indirect_vreg.gather @!p0 [hbm4b:s7+s2], $0x80, v4, vm1, $0xb8;
	[tilespmem:$0x10400] =	vst v63  }
0xa0: {  	s10 =	simm.s32 @!p0 $0x2400  }
0xa1: {  	[tilespmem:s10], [sflag:$0x1] =	stream.indirect_vreg.gather @!p0 [hbm4b:s1+s2], $0x80, v3, vm1, $0xb8;
	[tilespmem:$0x10400] =	vst v63  }
0xa2: {  	s10 =	simm.s32 @!p0 $0x2C00  }
0xa3: {  	[tilespmem:s10], [sflag:$0x1] =	stream.indirect_vreg.gather @!p0 [hbm4b:s5+s2], $0x80, v3, vm1, $0xb8;
	[tilespmem:$0x10400] =	vst v63  }
0xa4: {  	s10 =	simm.s32 @!p0 $0x3400  }
0xa5: {  	[tilespmem:s10], [sflag:$0x1] =	stream.indirect_vreg.gather @!p0 [hbm4b:s6+s2], $0x80, v3, vm1, $0xb8;
	[tilespmem:$0x10400] =	vst v63  }
0xa6: {  	s10 =	simm.s32 @!p0 $0x3C00  }
0xa7: {  	[tilespmem:s10], [sflag:$0x1] =	stream.indirect_vreg.gather @!p0 [hbm4b:s7+s2], $0x80, v3, vm1, $0xb8;
	[tilespmem:$0x10400] =	vst v63  }
0xa8: {  	_ =	swait.ge [sflag:s25], $0x4000  }
0xa9: {  	[sflag:s25] =	ssyncset.done $0x0  }
.Ltmp2:
0xaa: {  	s0 =	sadd.s32 $0x1800, s0;
	[sflag:s25] =	ssyncadd.s32 $0xFFFFC000;
	(pc) =	sbr.rel @p0 .LBB2_4-.Ltmp2, $4  }
0xab: {  	[hbm4b:s0+s3] =	stream.linear.scatter [tilespmem:s18], [sflag:$0x8], $0x4000, $0x38;
	[tilespmem:$0x10400] =	vst v63  }
0xac: {  	_ =	swait.ge [sflag:s26], $0x4000  }
0xad: {  	[sflag:s26] =	ssyncset.done $0x0  }
0xae: {  	[sflag:s26] =	ssyncadd.s32 $0xFFFFC000  }
0xaf: {  	v3 =	vld [tilespmem:s28+$0x20];
	_ =	sdelay $0x4  }
0xb0: {  	v4 =	vshll.u32 v3, $0x3  }
0xb1: {  	v3 =	vand.u32 $0x7, v3;
	v4 =	vand.u32 $0xFFFFFFC0, v4  }
0xb2: {  	v3 =	vor.u32 v3, v4  }
0xb3: {  	v4 =	vperm.xlane v3, v0;
	_ =	sdelay $0x1  }
0xb4: {  	v4 =	vadd.s32 v1, v4;
	_ =	sdelay $0x4  }
0xb5: {  	[tilespmem:s21], [sflag:$0x2] =	stream.indirect_vreg.gather [hbm4b:s1+s3], $0x80, v4, vm0, $0xb8;
	[tilespmem:$0x10400] =	vst v63  }
0xb6: {  	s0 =	simm.s32 $0x4C00;
	v3 =	vperm.xlane v3, v2  }
0xb7: {  	[tilespmem:s0], [sflag:$0x2] =	stream.indirect_vreg.gather [hbm4b:s5+s3], $0x80, v4, vm0, $0xb8;
	[tilespmem:$0x10400] =	vst v63  }
0xb8: {  	s2 =	simm.s32 $0x5400;
	v3 =	vadd.s32 v1, v3  }
0xb9: {  	[tilespmem:s2], [sflag:$0x2] =	stream.indirect_vreg.gather [hbm4b:s6+s3], $0x80, v4, vm0, $0xb8;
	[tilespmem:$0x10400] =	vst v63  }
0xba: {  	s10 =	simm.s32 $0x5C00  }
0xbb: {  	[tilespmem:s10], [sflag:$0x2] =	stream.indirect_vreg.gather [hbm4b:s7+s3], $0x80, v4, vm0, $0xb8;
	[tilespmem:$0x10400] =	vst v63  }
0xbc: {  	s2 =	simm.s32 $0x6400  }
0xbd: {  	[tilespmem:s2], [sflag:$0x2] =	stream.indirect_vreg.gather [hbm4b:s1+s3], $0x80, v3, vm0, $0xb8;
	[tilespmem:$0x10400] =	vst v63  }
0xbe: {  	s10 =	simm.s32 $0x6C00  }
0xbf: {  	[tilespmem:s10], [sflag:$0x2] =	stream.indirect_vreg.gather [hbm4b:s5+s3], $0x80, v3, vm0, $0xb8;
	[tilespmem:$0x10400] =	vst v63  }
.Ltmp3:
0xc0: {  	_ = 	snop;
	(pc) =	sbr.rel .LBB2_2-.Ltmp3, $4  }
0xc1: {  	s2 =	simm.s32 $0x7400  }
0xc2: {  	[tilespmem:s2], [sflag:$0x2] =	stream.indirect_vreg.gather [hbm4b:s6+s3], $0x80, v3, vm0, $0xb8;
	[tilespmem:$0x10400] =	vst v63  }
0xc3: {  	s29 =	sadd.s32 $0x2000, s29;
	s28 =	sadd.s32 $0x40, s28;
	s10 =	simm.s32 $0x7C00  }
0xc4: {  	[tilespmem:s10], [sflag:$0x2] =	stream.indirect_vreg.gather [hbm4b:s7+s3], $0x80, v3, vm0, $0xb8;
	[tilespmem:$0x10400] =	vst v63  }
.LBB2_5:
0xc5: {  	_ =	sfence.sel $0x180000  }
0xc6: {  	[bflag:$0x0] =	sbarrier.arrive $0xFFFF  }
0xc7: {  	_ =	strace $0x90000047  }
0xc8: {  	s0 =	stileid.u32;
	[bflag:$0x2] =	sbarrier.arrive $0xFFFF  }
0xc9: {  	p0 =	sne.s32 s0, $0x0;
	s0 =	rddreg [dreg:$0x3]  }
0xca: {  	s0 =	sadd.s32 @!p0 $0x100000, s0  }
0xcb: {  	[sflag:s0] =	ssyncadd.tile.s32 @!p0 $0x1;
	_ =	shalt  }
.Lfunc_end2:
_tile_overlayer_lowered:
.L_overlay_start_2:
0xcc: {  	(tag) =	ssettag $0x2  }
0xcd: {  	s0 =	rddreg [dreg:$0x0];
	s2 =	stileid.u32  }
0xce: {  	s1 =	rddreg [dreg:$0x1];
	p0 =	sne.s32 s2, $0x0  }
0xcf: {  	s3 =	rddreg [dreg:$0x2];
	[bflag:$0x3] =	sbarrier.arrive $0xFFFF;
	s2 =	simm.s32 @!p0 $0x1C0A  }
0xd0: {  	[timem:s3], [sflag:s2] =	dma.local @!p0 [hbm:s0], s1  }
0xd1: {  	s0 =	simm.s32 @!p0 $0xA  }
0xd2: {  	_ =	swait.ge @!p0 [sflag:s0], s1  }
0xd3: {  	s1 =	ssub.s32 @!p0 $0x0, s1;
	[sflag:s0] =	ssyncset.done @!p0 $0x0  }
0xd4: {  	[sflag:s0] =	ssyncadd.s32 @!p0 s1  }
0xd5: {  	[bflag:$0x3] =	sbarrier.arrive $0xFFFF  }
0xd6: {  	_ =	shalt  }

</sc_bundles>
